<compile_context>
chip_gen: v7x
topology: tpu7x:2x2x1
jax: 0.10.2.dev20260603
libtpu: 0.0.44.dev20260713+nightly
codegen_flags: <defaults>
</compile_context>

<pallas_src>
import functools

import jax
import jax.numpy as jnp
import numpy as np
from jax import lax
from jax.experimental import pallas as pl
from jax.experimental.pallas import tpu as pltpu
from jax.experimental.pallas import tpu_sc as plsc

_ROWS = 16384
_COLS = 6400
_STRIDE = 100
_NUM_IDX = 64
_CHUNK = 8
_SC_ROWS = 10240
_TC_ROWS = _ROWS - _SC_ROWS
_TC_BLOCK = 512

_SEL = np.zeros((_COLS, _NUM_IDX), dtype=np.float32)
_SEL[np.arange(_NUM_IDX) * _STRIDE, np.arange(_NUM_IDX)] = 1.0


def _make_sc_gather(sc_rows, row_off):
    info = plsc.get_sparse_core_info()
    nw = info.num_cores * info.num_subcores
    rows_w = sc_rows // nw
    nch = rows_w // _CHUNK
    assert nch % 4 == 0
    mesh = plsc.VectorSubcoreMesh(core_axis_name="c", subcore_axis_name="s")

    hcols = _COLS // 2
    nhc = nch * 2

    @functools.partial(
        pl.kernel,
        mesh=mesh,
        out_type=jax.ShapeDtypeStruct((_ROWS, _NUM_IDX), jnp.float32),
        scratch_types=[
            pltpu.VMEM((_CHUNK, hcols), jnp.float32),
            pltpu.VMEM((_CHUNK, hcols), jnp.float32),
            pltpu.VMEM((_CHUNK, hcols), jnp.float32),
            pltpu.VMEM((_CHUNK, hcols), jnp.float32),
            pltpu.VMEM((_CHUNK, _NUM_IDX), jnp.float32),
            pltpu.VMEM((_CHUNK, _NUM_IDX), jnp.float32),
            pltpu.SemaphoreType.DMA,
            pltpu.SemaphoreType.DMA,
            pltpu.SemaphoreType.DMA,
            pltpu.SemaphoreType.DMA,
            pltpu.SemaphoreType.DMA,
            pltpu.SemaphoreType.DMA,
        ],
        compiler_params=pltpu.CompilerParams(needs_layout_passes=False),
    )
    def sc_gather(
        in_hbm, out_hbm, ib0, ib1, ib2, ib3, ob0, ob1,
        si0, si1, si2, si3, so0, so1,
    ):
        ibuf = (ib0, ib1, ib2, ib3)
        obuf = (ob0, ob1)
        sin = (si0, si1, si2, si3)
        sout = (so0, so1)
        wid = lax.axis_index("s") * info.num_cores + lax.axis_index("c")
        rb = pl.multiple_of(row_off + wid * rows_w, _CHUNK)
        ob_base = pl.multiple_of(row_off + wid * rows_w, _CHUNK)
        lanes = lax.iota(jnp.int32, 16)
        cols = [
            [(lanes + (h * 2 + g) * 16) * _STRIDE - h * hcols for g in range(2)]
            for h in range(2)
        ]
        qvecs = [lax.full((16,), q, jnp.int32) for q in range(_CHUNK)]
        outl = [
            [lanes + (h * 2 + g) * 16 for g in range(2)] for h in range(2)
        ]

        def in_copy(hc, slot):
            rows = pl.multiple_of(rb + (hc // 2) * _CHUNK, _CHUNK)
            col = (hc % 2) * hcols
            return pltpu.make_async_copy(
                in_hbm.at[pl.ds(rows, _CHUNK), pl.ds(col, hcols)],
                ibuf[slot],
                sin[slot],
            )

        def out_copy(c, slot):
            rows = pl.multiple_of(ob_base + c * _CHUNK, _CHUNK)
            return pltpu.make_async_copy(
                obuf[slot], out_hbm.at[pl.ds(rows, _CHUNK), :], sout[slot]
            )

        for p in range(3):
            in_copy(p, p).start()

        def outer(o, _):
            for b in range(4):
                hc = o * 4 + b
                c = o * 2 + b // 2
                h = b % 2
                oslot = b // 2
                @pl.when(hc + 3 < nhc)
                def _():
                    in_copy(hc + 3, (b + 3) % 4).start()

                in_copy(hc, b).wait()
                if h == 0:
                    @pl.when(c >= 2)
                    def _():
                        out_copy(c - 2, oslot).wait()

                for q in range(_CHUNK):
                    for g in range(2):
                        vals = plsc.load_gather(ibuf[b], [qvecs[q], cols[h][g]])
                        plsc.store_scatter(obuf[oslot], [qvecs[q], outl[h][g]], vals)
                if h == 1:
                    out_copy(c, oslot).start()
            return ()

        lax.fori_loop(0, nhc // 4, outer, (), unroll=False)
        for s in range(2):
            out_copy(nch - 2 + s, s).wait()

    return sc_gather


_SC_GATHER = _make_sc_gather(_SC_ROWS, _TC_ROWS)


def _tc_body(x_ref, sel_ref, o_ref):
    o_ref[...] = jnp.dot(
        x_ref[...],
        sel_ref[...],
        preferred_element_type=jnp.float32,
        precision=jax.lax.Precision.HIGHEST,
    )


_tc_gather = pl.pallas_call(
    _tc_body,
    grid=(_TC_ROWS // _TC_BLOCK,),
    in_specs=[
        pl.BlockSpec((_TC_BLOCK, _COLS), lambda i: (i, 0)),
        pl.BlockSpec((_COLS, _NUM_IDX), lambda i: (0, 0)),
    ],
    out_specs=pl.BlockSpec((_TC_BLOCK, _NUM_IDX), lambda i: (i, 0)),
    out_shape=jax.ShapeDtypeStruct((_TC_ROWS, _NUM_IDX), jnp.float32),
)


def kernel(inputs):
    out_sc = _SC_GATHER(inputs)
    out_tc = _tc_gather(inputs, jnp.asarray(_SEL))
    return jax.lax.dynamic_update_slice(out_sc, out_tc, (0, 0))

# --- scband reference (transcript-rebuilt; emitter-appended) ---
"""Pipeline reference for scband-gather-layer-25220047962517 (READ-ONLY COPY).

The authoritative reference and input builder live on the scoring server;
editing this copy changes nothing except your own understanding.
"""

import jax, jax.numpy as jnp
import numpy as np

INDICES = jnp.asarray(np.arange(0, 6400, 100, dtype=np.int32))  # 64 indices, matches init_kwargs


def setup_inputs(seed: int = 0) -> dict:
    key = jax.random.key(seed)
    inputs = jax.random.normal(key, (16384, 6400), dtype=jnp.float32)
    return {"inputs": inputs}


def reference(inputs):
    # Faithful translation of GatherLayer.call: tf.gather(inputs, self.indices, axis=-1)
    return jnp.take(inputs, INDICES, axis=-1)

if __name__ == "__main__":
    import jax
    _d = setup_inputs()
    print(jax.jit(kernel)(*tuple(_d.values())))

</pallas_src>

<mosaic_0001>
#map = affine_map<(d0, d1) -> (0, 0)>
module attributes {stable_mosaic.version = 14 : i64} {
  func.func @sc_gather(%arg0: i32, %arg1: i32, %arg2: memref<16384x6400xf32, #tpu.memory_space<hbm>>, %arg3: memref<16384x64xf32, #tpu.memory_space<hbm>>, %arg4: memref<8x3200xf32, #tpu.memory_space<vmem>>, %arg5: memref<8x3200xf32, #tpu.memory_space<vmem>>, %arg6: memref<8x3200xf32, #tpu.memory_space<vmem>>, %arg7: memref<8x3200xf32, #tpu.memory_space<vmem>>, %arg8: memref<8x64xf32, #tpu.memory_space<vmem>>, %arg9: memref<8x64xf32, #tpu.memory_space<vmem>>, %arg10: memref<!tpu.dma_semaphore, #tpu.memory_space<semaphore_mem>>, %arg11: memref<!tpu.dma_semaphore, #tpu.memory_space<semaphore_mem>>, %arg12: memref<!tpu.dma_semaphore, #tpu.memory_space<semaphore_mem>>, %arg13: memref<!tpu.dma_semaphore, #tpu.memory_space<semaphore_mem>>, %arg14: memref<!tpu.dma_semaphore, #tpu.memory_space<semaphore_mem>>, %arg15: memref<!tpu.dma_semaphore, #tpu.memory_space<semaphore_mem>>) attributes {dimension_semantics = [#tpu.dimension_semantics<core_parallel>, #tpu.dimension_semantics<subcore_parallel>], iteration_bounds = array<i64: 2, 16>, scalar_prefetch = 0 : i64, scratch_operands = 12 : i64, tpu.core_type = #tpu.core_type<sc_vector_subcore>, window_params = [{transform_indices = #map}, {transform_indices = #map}]} {
    %mul3A = arith.constant 2 : i32
    %mul3A_0 = arith.muli %arg1, %mul3A : i32
    %add3A = arith.addi %mul3A_0, %arg0 : i32
    %mul3A_1 = arith.constant 320 : i32
    %mul3A_2 = arith.muli %add3A, %mul3A_1 : i32
    %add3A_3 = arith.constant 6144 : i32
    %add3A_4 = arith.addi %add3A_3, %mul3A_2 : i32
    %multiple_of3A = tpu.assume_multiple %add3A_4, 8 : i32
    %mul3A_5 = arith.constant 320 : i32
    %mul3A_6 = arith.muli %add3A, %mul3A_5 : i32
    %add3A_7 = arith.constant 6144 : i32
    %add3A_8 = arith.addi %add3A_7, %mul3A_6 : i32
    %multiple_of3A_9 = tpu.assume_multiple %add3A_8, 8 : i32
    %iota3A = tpu.iota {dimensions = array<i32: 0>} : vector<16xi32>
    %add3A_10 = arith.constant 0 : i32
    %add3A_11 = vector.broadcast %add3A_10 : i32 to vector<16xi32>
    %add3A_12 = arith.addi %iota3A, %add3A_11 : vector<16xi32>
    %mul3A_13 = arith.constant 100 : i32
    %mul3A_14 = vector.broadcast %mul3A_13 : i32 to vector<16xi32>
    %mul3A_15 = arith.muli %add3A_12, %mul3A_14 : vector<16xi32>
    %sub3A = arith.constant 0 : i32
    %sub3A_16 = vector.broadcast %sub3A : i32 to vector<16xi32>
    %sub3A_17 = arith.subi %mul3A_15, %sub3A_16 : vector<16xi32>
    %add3A_18 = arith.constant 16 : i32
    %add3A_19 = vector.broadcast %add3A_18 : i32 to vector<16xi32>
    %add3A_20 = arith.addi %iota3A, %add3A_19 : vector<16xi32>
    %mul3A_21 = arith.constant 100 : i32
    %mul3A_22 = vector.broadcast %mul3A_21 : i32 to vector<16xi32>
    %mul3A_23 = arith.muli %add3A_20, %mul3A_22 : vector<16xi32>
    %sub3A_24 = arith.constant 0 : i32
    %sub3A_25 = vector.broadcast %sub3A_24 : i32 to vector<16xi32>
    %sub3A_26 = arith.subi %mul3A_23, %sub3A_25 : vector<16xi32>
    %add3A_27 = arith.constant 32 : i32
    %add3A_28 = vector.broadcast %add3A_27 : i32 to vector<16xi32>
    %add3A_29 = arith.addi %iota3A, %add3A_28 : vector<16xi32>
    %mul3A_30 = arith.constant 100 : i32
    %mul3A_31 = vector.broadcast %mul3A_30 : i32 to vector<16xi32>
    %mul3A_32 = arith.muli %add3A_29, %mul3A_31 : vector<16xi32>
    %sub3A_33 = arith.constant 3200 : i32
    %sub3A_34 = vector.broadcast %sub3A_33 : i32 to vector<16xi32>
    %sub3A_35 = arith.subi %mul3A_32, %sub3A_34 : vector<16xi32>
    %add3A_36 = arith.constant 48 : i32
    %add3A_37 = vector.broadcast %add3A_36 : i32 to vector<16xi32>
    %add3A_38 = arith.addi %iota3A, %add3A_37 : vector<16xi32>
    %mul3A_39 = arith.constant 100 : i32
    %mul3A_40 = vector.broadcast %mul3A_39 : i32 to vector<16xi32>
    %mul3A_41 = arith.muli %add3A_38, %mul3A_40 : vector<16xi32>
    %sub3A_42 = arith.constant 3200 : i32
    %sub3A_43 = vector.broadcast %sub3A_42 : i32 to vector<16xi32>
    %sub3A_44 = arith.subi %mul3A_41, %sub3A_43 : vector<16xi32>
    %broadcast_in_dim3A = arith.constant 0 : i32
    %broadcast_in_dim3A_45 = vector.broadcast %broadcast_in_dim3A : i32 to vector<16xi32>
    %broadcast_in_dim3A_46 = arith.constant 1 : i32
    %broadcast_in_dim3A_47 = vector.broadcast %broadcast_in_dim3A_46 : i32 to vector<16xi32>
    %broadcast_in_dim3A_48 = arith.constant 2 : i32
    %broadcast_in_dim3A_49 = vector.broadcast %broadcast_in_dim3A_48 : i32 to vector<16xi32>
    %broadcast_in_dim3A_50 = arith.constant 3 : i32
    %broadcast_in_dim3A_51 = vector.broadcast %broadcast_in_dim3A_50 : i32 to vector<16xi32>
    %broadcast_in_dim3A_52 = arith.constant 4 : i32
    %broadcast_in_dim3A_53 = vector.broadcast %broadcast_in_dim3A_52 : i32 to vector<16xi32>
    %broadcast_in_dim3A_54 = arith.constant 5 : i32
    %broadcast_in_dim3A_55 = vector.broadcast %broadcast_in_dim3A_54 : i32 to vector<16xi32>
    %broadcast_in_dim3A_56 = arith.constant 6 : i32
    %broadcast_in_dim3A_57 = vector.broadcast %broadcast_in_dim3A_56 : i32 to vector<16xi32>
    %broadcast_in_dim3A_58 = arith.constant 7 : i32
    %broadcast_in_dim3A_59 = vector.broadcast %broadcast_in_dim3A_58 : i32 to vector<16xi32>
    %add3A_60 = arith.constant 0 : i32
    %add3A_61 = vector.broadcast %add3A_60 : i32 to vector<16xi32>
    %add3A_62 = arith.addi %iota3A, %add3A_61 : vector<16xi32>
    %add3A_63 = arith.constant 16 : i32
    %add3A_64 = vector.broadcast %add3A_63 : i32 to vector<16xi32>
    %add3A_65 = arith.addi %iota3A, %add3A_64 : vector<16xi32>
    %add3A_66 = arith.constant 32 : i32
    %add3A_67 = vector.broadcast %add3A_66 : i32 to vector<16xi32>
    %add3A_68 = arith.addi %iota3A, %add3A_67 : vector<16xi32>
    %add3A_69 = arith.constant 48 : i32
    %add3A_70 = vector.broadcast %add3A_69 : i32 to vector<16xi32>
    %add3A_71 = arith.addi %iota3A, %add3A_70 : vector<16xi32>
    %add3A_72 = arith.constant 0 : i32
    %add3A_73 = arith.addi %multiple_of3A, %add3A_72 : i32
    %multiple_of3A_74 = tpu.assume_multiple %add3A_73, 8 : i32
    %dma_start3A = arith.constant 0 : i32
    %dma_start3A_75 = tpu.memref_slice %arg2[%multiple_of3A_74, %dma_start3A] : memref<16384x6400xf32, #tpu.memory_space<hbm>> -> memref<8x3200xf32, #tpu.memory_space<hbm>>
    %dma_start3A_76 = arith.constant 0 : i32
    %dma_start3A_77 = tpu.memref_slice %arg2[%multiple_of3A_74, %dma_start3A_76] : memref<16384x6400xf32, #tpu.memory_space<hbm>> -> memref<8x3200xf32, #tpu.memory_space<hbm>>
    tpu.enqueue_dma source(%dma_start3A_77 : memref<8x3200xf32, #tpu.memory_space<hbm>>) target(%arg4 : memref<8x3200xf32, #tpu.memory_space<vmem>>) target_semaphore(%arg10 : memref<!tpu.dma_semaphore, #tpu.memory_space<semaphore_mem>>)
    %add3A_78 = arith.constant 0 : i32
    %add3A_79 = arith.addi %multiple_of3A, %add3A_78 : i32
    %multiple_of3A_80 = tpu.assume_multiple %add3A_79, 8 : i32
    %dma_start3A_81 = arith.constant 3200 : i32
    %dma_start3A_82 = tpu.memref_slice %arg2[%multiple_of3A_80, %dma_start3A_81] : memref<16384x6400xf32, #tpu.memory_space<hbm>> -> memref<8x3200xf32, #tpu.memory_space<hbm>>
    %dma_start3A_83 = arith.constant 3200 : i32
    %dma_start3A_84 = tpu.memref_slice %arg2[%multiple_of3A_80, %dma_start3A_83] : memref<16384x6400xf32, #tpu.memory_space<hbm>> -> memref<8x3200xf32, #tpu.memory_space<hbm>>
    tpu.enqueue_dma source(%dma_start3A_84 : memref<8x3200xf32, #tpu.memory_space<hbm>>) target(%arg5 : memref<8x3200xf32, #tpu.memory_space<vmem>>) target_semaphore(%arg11 : memref<!tpu.dma_semaphore, #tpu.memory_space<semaphore_mem>>)
    %add3A_85 = arith.constant 8 : i32
    %add3A_86 = arith.addi %multiple_of3A, %add3A_85 : i32
    %multiple_of3A_87 = tpu.assume_multiple %add3A_86, 8 : i32
    %dma_start3A_88 = arith.constant 0 : i32
    %dma_start3A_89 = tpu.memref_slice %arg2[%multiple_of3A_87, %dma_start3A_88] : memref<16384x6400xf32, #tpu.memory_space<hbm>> -> memref<8x3200xf32, #tpu.memory_space<hbm>>
    %dma_start3A_90 = arith.constant 0 : i32
    %dma_start3A_91 = tpu.memref_slice %arg2[%multiple_of3A_87, %dma_start3A_90] : memref<16384x6400xf32, #tpu.memory_space<hbm>> -> memref<8x3200xf32, #tpu.memory_space<hbm>>
    tpu.enqueue_dma source(%dma_start3A_91 : memref<8x3200xf32, #tpu.memory_space<hbm>>) target(%arg6 : memref<8x3200xf32, #tpu.memory_space<vmem>>) target_semaphore(%arg12 : memref<!tpu.dma_semaphore, #tpu.memory_space<semaphore_mem>>)
    %scan3A = arith.constant 0 : i32
    %scan3A_92 = arith.constant 20 : i32
    %scan3A_93 = arith.addi %scan3A, %scan3A_92 : i32
    %scan3A_94 = arith.constant 1 : i32
    scf.for %scan3A_109 = %scan3A to %scan3A_93 step %scan3A_94  : i32 {
      %mul3A_110 = arith.constant 4 : i32
      %mul3A_111 = arith.muli %scan3A_109, %mul3A_110 : i32
      %add3A_112 = arith.constant 0 : i32
      %add3A_113 = arith.addi %mul3A_111, %add3A_112 : i32
      %mul3A_114 = arith.constant 2 : i32
      %mul3A_115 = arith.muli %scan3A_109, %mul3A_114 : i32
      %add3A_116 = arith.constant 0 : i32
      %add3A_117 = arith.addi %mul3A_115, %add3A_116 : i32
      %add3A_118 = arith.constant 3 : i32
      %add3A_119 = arith.addi %add3A_113, %add3A_118 : i32
      %lt3A = arith.constant 80 : i32
      %lt3A_120 = arith.cmpi slt, %add3A_119, %lt3A : i32
      %convert_element_type3A = arith.extui %lt3A_120 : i1 to i32
      %cond3A = arith.constant 0 : i32
      %cond3A_121 = arith.cmpi ne, %convert_element_type3A, %cond3A : i32
      scf.if %cond3A_121 {
        %add3A_439 = arith.constant 3 : i32
        %add3A_440 = arith.addi %add3A_113, %add3A_439 : i32
        %jit3A_441 = arith.constant 2 : i32
        %div3A_442 = arith.divsi %add3A_440, %jit3A_441 : i32
        %sign3A_443 = arith.constant 0 : i32
        %sign3A_444 = arith.cmpi sgt, %add3A_440, %sign3A_443 : i32
        %sign3A_445 = arith.extui %sign3A_444 : i1 to i32
        %sign3A_446 = arith.constant 0 : i32
        %sign3A_447 = arith.cmpi slt, %add3A_440, %sign3A_446 : i32
        %sign3A_448 = arith.extui %sign3A_447 : i1 to i32
        %sign3A_449 = arith.subi %sign3A_445, %sign3A_448 : i32
        %sign3A_450 = arith.constant 0 : i32
        %sign3A_451 = arith.cmpi sgt, %jit3A_441, %sign3A_450 : i32
        %sign3A_452 = arith.extui %sign3A_451 : i1 to i32
        %sign3A_453 = arith.constant 0 : i32
        %sign3A_454 = arith.cmpi slt, %jit3A_441, %sign3A_453 : i32
        %sign3A_455 = arith.extui %sign3A_454 : i1 to i32
        %sign3A_456 = arith.subi %sign3A_452, %sign3A_455 : i32
        %ne3A_457 = arith.cmpi ne, %sign3A_449, %sign3A_456 : i32
        %rem3A_458 = arith.remsi %add3A_440, %jit3A_441 : i32
        %ne3A_459 = arith.constant 0 : i32
        %ne3A_460 = arith.cmpi ne, %rem3A_458, %ne3A_459 : i32
        %and3A_461 = arith.andi %ne3A_457, %ne3A_460 : i1
        %sub3A_462 = arith.constant 1 : i32
        %sub3A_463 = arith.subi %div3A_442, %sub3A_462 : i32
        %select_n3A_464 = arith.select %and3A_461, %sub3A_463, %div3A_442 : i32
        %mul3A_465 = arith.constant 8 : i32
        %mul3A_466 = arith.muli %select_n3A_464, %mul3A_465 : i32
        %add3A_467 = arith.addi %multiple_of3A, %mul3A_466 : i32
        %multiple_of3A_468 = tpu.assume_multiple %add3A_467, 8 : i32
        %jit3A_469 = arith.constant 2 : i32
        %eq3A_470 = arith.constant 0 : i32
        %eq3A_471 = arith.cmpi eq, %jit3A_469, %eq3A_470 : i32
        %jit3A_472 = arith.constant 1 : i32
        %select_n3A_473 = arith.select %eq3A_471, %jit3A_472, %jit3A_469 : i32
        %rem3A_474 = arith.remsi %add3A_440, %select_n3A_473 : i32
        %ne3A_475 = arith.constant 0 : i32
        %ne3A_476 = arith.cmpi ne, %rem3A_474, %ne3A_475 : i32
        %lt3A_477 = arith.constant 0 : i32
        %lt3A_478 = arith.cmpi slt, %rem3A_474, %lt3A_477 : i32
        %lt3A_479 = arith.constant 0 : i32
        %lt3A_480 = arith.cmpi slt, %select_n3A_473, %lt3A_479 : i32
        %ne3A_481 = arith.xori %lt3A_478, %lt3A_480 : i1
        %and3A_482 = arith.andi %ne3A_481, %ne3A_476 : i1
        %add3A_483 = arith.addi %rem3A_474, %select_n3A_473 : i32
        %select_n3A_484 = arith.select %and3A_482, %add3A_483, %rem3A_474 : i32
        %mul3A_485 = arith.constant 3200 : i32
        %mul3A_486 = arith.muli %select_n3A_484, %mul3A_485 : i32
        %dma_start3A_487 = tpu.memref_slice %arg2[%multiple_of3A_468, %mul3A_486] : memref<16384x6400xf32, #tpu.memory_space<hbm>> -> memref<8x3200xf32, #tpu.memory_space<hbm>>
        %dma_start3A_488 = tpu.memref_slice %arg2[%multiple_of3A_468, %mul3A_486] : memref<16384x6400xf32, #tpu.memory_space<hbm>> -> memref<8x3200xf32, #tpu.memory_space<hbm>>
        tpu.enqueue_dma source(%dma_start3A_488 : memref<8x3200xf32, #tpu.memory_space<hbm>>) target(%arg7 : memref<8x3200xf32, #tpu.memory_space<vmem>>) target_semaphore(%arg13 : memref<!tpu.dma_semaphore, #tpu.memory_space<semaphore_mem>>)
      } else {
      }
      %jit3A = arith.constant 2 : i32
      %div3A = arith.divsi %add3A_113, %jit3A : i32
      %sign3A = arith.constant 0 : i32
      %sign3A_122 = arith.cmpi sgt, %add3A_113, %sign3A : i32
      %sign3A_123 = arith.extui %sign3A_122 : i1 to i32
      %sign3A_124 = arith.constant 0 : i32
      %sign3A_125 = arith.cmpi slt, %add3A_113, %sign3A_124 : i32
      %sign3A_126 = arith.extui %sign3A_125 : i1 to i32
      %sign3A_127 = arith.subi %sign3A_123, %sign3A_126 : i32
      %sign3A_128 = arith.constant 0 : i32
      %sign3A_129 = arith.cmpi sgt, %jit3A, %sign3A_128 : i32
      %sign3A_130 = arith.extui %sign3A_129 : i1 to i32
      %sign3A_131 = arith.constant 0 : i32
      %sign3A_132 = arith.cmpi slt, %jit3A, %sign3A_131 : i32
      %sign3A_133 = arith.extui %sign3A_132 : i1 to i32
      %sign3A_134 = arith.subi %sign3A_130, %sign3A_133 : i32
      %ne3A = arith.cmpi ne, %sign3A_127, %sign3A_134 : i32
      %rem3A = arith.remsi %add3A_113, %jit3A : i32
      %ne3A_135 = arith.constant 0 : i32
      %ne3A_136 = arith.cmpi ne, %rem3A, %ne3A_135 : i32
      %and3A = arith.andi %ne3A, %ne3A_136 : i1
      %sub3A_137 = arith.constant 1 : i32
      %sub3A_138 = arith.subi %div3A, %sub3A_137 : i32
      %select_n3A = arith.select %and3A, %sub3A_138, %div3A : i32
      %mul3A_139 = arith.constant 8 : i32
      %mul3A_140 = arith.muli %select_n3A, %mul3A_139 : i32
      %add3A_141 = arith.addi %multiple_of3A, %mul3A_140 : i32
      %multiple_of3A_142 = tpu.assume_multiple %add3A_141, 8 : i32
      %jit3A_143 = arith.constant 2 : i32
      %eq3A = arith.constant 0 : i32
      %eq3A_144 = arith.cmpi eq, %jit3A_143, %eq3A : i32
      %jit3A_145 = arith.constant 1 : i32
      %select_n3A_146 = arith.select %eq3A_144, %jit3A_145, %jit3A_143 : i32
      %rem3A_147 = arith.remsi %add3A_113, %select_n3A_146 : i32
      %ne3A_148 = arith.constant 0 : i32
      %ne3A_149 = arith.cmpi ne, %rem3A_147, %ne3A_148 : i32
      %lt3A_150 = arith.constant 0 : i32
      %lt3A_151 = arith.cmpi slt, %rem3A_147, %lt3A_150 : i32
      %lt3A_152 = arith.constant 0 : i32
      %lt3A_153 = arith.cmpi slt, %select_n3A_146, %lt3A_152 : i32
      %ne3A_154 = arith.xori %lt3A_151, %lt3A_153 : i1
      %and3A_155 = arith.andi %ne3A_154, %ne3A_149 : i1
      %add3A_156 = arith.addi %rem3A_147, %select_n3A_146 : i32
      %select_n3A_157 = arith.select %and3A_155, %add3A_156, %rem3A_147 : i32
      %mul3A_158 = arith.constant 3200 : i32
      %mul3A_159 = arith.muli %select_n3A_157, %mul3A_158 : i32
      %dma_wait3A_160 = tpu.memref_slice %arg2[%multiple_of3A_142, %mul3A_159] : memref<16384x6400xf32, #tpu.memory_space<hbm>> -> memref<8x3200xf32, #tpu.memory_space<hbm>>
      %dma_wait3A_161 = tpu.memref_slice %arg2[%multiple_of3A_142, %mul3A_159] : memref<16384x6400xf32, #tpu.memory_space<hbm>> -> memref<8x3200xf32, #tpu.memory_space<hbm>>
      tpu.wait_dma2 semaphore(%arg10 : memref<!tpu.dma_semaphore, #tpu.memory_space<semaphore_mem>>) src(%dma_wait3A_161 : memref<8x3200xf32, #tpu.memory_space<hbm>>) dst(%arg4 : memref<8x3200xf32, #tpu.memory_space<vmem>>)
      %ge3A = arith.constant 2 : i32
      %ge3A_162 = arith.cmpi sge, %add3A_117, %ge3A : i32
      %convert_element_type3A_163 = arith.extui %ge3A_162 : i1 to i32
      %cond3A_164 = arith.constant 0 : i32
      %cond3A_165 = arith.cmpi ne, %convert_element_type3A_163, %cond3A_164 : i32
      scf.if %cond3A_165 {
        %sub3A_439 = arith.constant 2 : i32
        %sub3A_440 = arith.subi %add3A_117, %sub3A_439 : i32
        %mul3A_441 = arith.constant 8 : i32
        %mul3A_442 = arith.muli %sub3A_440, %mul3A_441 : i32
        %add3A_443 = arith.addi %multiple_of3A_9, %mul3A_442 : i32
        %multiple_of3A_444 = tpu.assume_multiple %add3A_443, 8 : i32
        %dma_wait3A_445 = arith.constant 0 : i32
        %dma_wait3A_446 = tpu.memref_slice %arg3[%multiple_of3A_444, %dma_wait3A_445] : memref<16384x64xf32, #tpu.memory_space<hbm>> -> memref<8x64xf32, #tpu.memory_space<hbm>>
        %dma_wait3A_447 = arith.constant 0 : i32
        %dma_wait3A_448 = tpu.memref_slice %arg3[%multiple_of3A_444, %dma_wait3A_447] : memref<16384x64xf32, #tpu.memory_space<hbm>> -> memref<8x64xf32, #tpu.memory_space<hbm>>
        tpu.wait_dma2 semaphore(%arg14 : memref<!tpu.dma_semaphore, #tpu.memory_space<semaphore_mem>>) src(%arg8 : memref<8x64xf32, #tpu.memory_space<vmem>>) dst(%dma_wait3A_448 : memref<8x64xf32, #tpu.memory_space<hbm>>)
      } else {
      }
      %gather3A = tpu.vector_load_idx %arg4[%broadcast_in_dim3A_45, %sub3A_17] : memref<8x3200xf32, #tpu.memory_space<vmem>>[vector<16xi32>, vector<16xi32>], vector<16xf32>,
      tpu.vector_store_idx %arg8[%broadcast_in_dim3A_45, %add3A_62], %gather3A : memref<8x64xf32, #tpu.memory_space<vmem>>[vector<16xi32>, vector<16xi32>], vector<16xf32>,
      %gather3A_166 = tpu.vector_load_idx %arg4[%broadcast_in_dim3A_45, %sub3A_26] : memref<8x3200xf32, #tpu.memory_space<vmem>>[vector<16xi32>, vector<16xi32>], vector<16xf32>,
      tpu.vector_store_idx %arg8[%broadcast_in_dim3A_45, %add3A_65], %gather3A_166 : memref<8x64xf32, #tpu.memory_space<vmem>>[vector<16xi32>, vector<16xi32>], vector<16xf32>,
      %gather3A_167 = tpu.vector_load_idx %arg4[%broadcast_in_dim3A_47, %sub3A_17] : memref<8x3200xf32, #tpu.memory_space<vmem>>[vector<16xi32>, vector<16xi32>], vector<16xf32>,
      tpu.vector_store_idx %arg8[%broadcast_in_dim3A_47, %add3A_62], %gather3A_167 : memref<8x64xf32, #tpu.memory_space<vmem>>[vector<16xi32>, vector<16xi32>], vector<16xf32>,
      %gather3A_168 = tpu.vector_load_idx %arg4[%broadcast_in_dim3A_47, %sub3A_26] : memref<8x3200xf32, #tpu.memory_space<vmem>>[vector<16xi32>, vector<16xi32>], vector<16xf32>,
      tpu.vector_store_idx %arg8[%broadcast_in_dim3A_47, %add3A_65], %gather3A_168 : memref<8x64xf32, #tpu.memory_space<vmem>>[vector<16xi32>, vector<16xi32>], vector<16xf32>,
      %gather3A_169 = tpu.vector_load_idx %arg4[%broadcast_in_dim3A_49, %sub3A_17] : memref<8x3200xf32, #tpu.memory_space<vmem>>[vector<16xi32>, vector<16xi32>], vector<16xf32>,
      tpu.vector_store_idx %arg8[%broadcast_in_dim3A_49, %add3A_62], %gather3A_169 : memref<8x64xf32, #tpu.memory_space<vmem>>[vector<16xi32>, vector<16xi32>], vector<16xf32>,
      %gather3A_170 = tpu.vector_load_idx %arg4[%broadcast_in_dim3A_49, %sub3A_26] : memref<8x3200xf32, #tpu.memory_space<vmem>>[vector<16xi32>, vector<16xi32>], vector<16xf32>,
      tpu.vector_store_idx %arg8[%broadcast_in_dim3A_49, %add3A_65], %gather3A_170 : memref<8x64xf32, #tpu.memory_space<vmem>>[vector<16xi32>, vector<16xi32>], vector<16xf32>,
      %gather3A_171 = tpu.vector_load_idx %arg4[%broadcast_in_dim3A_51, %sub3A_17] : memref<8x3200xf32, #tpu.memory_space<vmem>>[vector<16xi32>, vector<16xi32>], vector<16xf32>,
      tpu.vector_store_idx %arg8[%broadcast_in_dim3A_51, %add3A_62], %gather3A_171 : memref<8x64xf32, #tpu.memory_space<vmem>>[vector<16xi32>, vector<16xi32>], vector<16xf32>,
      %gather3A_172 = tpu.vector_load_idx %arg4[%broadcast_in_dim3A_51, %sub3A_26] : memref<8x3200xf32, #tpu.memory_space<vmem>>[vector<16xi32>, vector<16xi32>], vector<16xf32>,
      tpu.vector_store_idx %arg8[%broadcast_in_dim3A_51, %add3A_65], %gather3A_172 : memref<8x64xf32, #tpu.memory_space<vmem>>[vector<16xi32>, vector<16xi32>], vector<16xf32>,
      %gather3A_173 = tpu.vector_load_idx %arg4[%broadcast_in_dim3A_53, %sub3A_17] : memref<8x3200xf32, #tpu.memory_space<vmem>>[vector<16xi32>, vector<16xi32>], vector<16xf32>,
      tpu.vector_store_idx %arg8[%broadcast_in_dim3A_53, %add3A_62], %gather3A_173 : memref<8x64xf32, #tpu.memory_space<vmem>>[vector<16xi32>, vector<16xi32>], vector<16xf32>,
      %gather3A_174 = tpu.vector_load_idx %arg4[%broadcast_in_dim3A_53, %sub3A_26] : memref<8x3200xf32, #tpu.memory_space<vmem>>[vector<16xi32>, vector<16xi32>], vector<16xf32>,
      tpu.vector_store_idx %arg8[%broadcast_in_dim3A_53, %add3A_65], %gather3A_174 : memref<8x64xf32, #tpu.memory_space<vmem>>[vector<16xi32>, vector<16xi32>], vector<16xf32>,
      %gather3A_175 = tpu.vector_load_idx %arg4[%broadcast_in_dim3A_55, %sub3A_17] : memref<8x3200xf32, #tpu.memory_space<vmem>>[vector<16xi32>, vector<16xi32>], vector<16xf32>,
      tpu.vector_store_idx %arg8[%broadcast_in_dim3A_55, %add3A_62], %gather3A_175 : memref<8x64xf32, #tpu.memory_space<vmem>>[vector<16xi32>, vector<16xi32>], vector<16xf32>,
      %gather3A_176 = tpu.vector_load_idx %arg4[%broadcast_in_dim3A_55, %sub3A_26] : memref<8x3200xf32, #tpu.memory_space<vmem>>[vector<16xi32>, vector<16xi32>], vector<16xf32>,
      tpu.vector_store_idx %arg8[%broadcast_in_dim3A_55, %add3A_65], %gather3A_176 : memref<8x64xf32, #tpu.memory_space<vmem>>[vector<16xi32>, vector<16xi32>], vector<16xf32>,
      %gather3A_177 = tpu.vector_load_idx %arg4[%broadcast_in_dim3A_57, %sub3A_17] : memref<8x3200xf32, #tpu.memory_space<vmem>>[vector<16xi32>, vector<16xi32>], vector<16xf32>,
      tpu.vector_store_idx %arg8[%broadcast_in_dim3A_57, %add3A_62], %gather3A_177 : memref<8x64xf32, #tpu.memory_space<vmem>>[vector<16xi32>, vector<16xi32>], vector<16xf32>,
      %gather3A_178 = tpu.vector_load_idx %arg4[%broadcast_in_dim3A_57, %sub3A_26] : memref<8x3200xf32, #tpu.memory_space<vmem>>[vector<16xi32>, vector<16xi32>], vector<16xf32>,
      tpu.vector_store_idx %arg8[%broadcast_in_dim3A_57, %add3A_65], %gather3A_178 : memref<8x64xf32, #tpu.memory_space<vmem>>[vector<16xi32>, vector<16xi32>], vector<16xf32>,
      %gather3A_179 = tpu.vector_load_idx %arg4[%broadcast_in_dim3A_59, %sub3A_17] : memref<8x3200xf32, #tpu.memory_space<vmem>>[vector<16xi32>, vector<16xi32>], vector<16xf32>,
      tpu.vector_store_idx %arg8[%broadcast_in_dim3A_59, %add3A_62], %gather3A_179 : memref<8x64xf32, #tpu.memory_space<vmem>>[vector<16xi32>, vector<16xi32>], vector<16xf32>,
      %gather3A_180 = tpu.vector_load_idx %arg4[%broadcast_in_dim3A_59, %sub3A_26] : memref<8x3200xf32, #tpu.memory_space<vmem>>[vector<16xi32>, vector<16xi32>], vector<16xf32>,
      tpu.vector_store_idx %arg8[%broadcast_in_dim3A_59, %add3A_65], %gather3A_180 : memref<8x64xf32, #tpu.memory_space<vmem>>[vector<16xi32>, vector<16xi32>], vector<16xf32>,
      %mul3A_181 = arith.constant 4 : i32
      %mul3A_182 = arith.muli %scan3A_109, %mul3A_181 : i32
      %add3A_183 = arith.constant 1 : i32
      %add3A_184 = arith.addi %mul3A_182, %add3A_183 : i32
      %mul3A_185 = arith.constant 2 : i32
      %mul3A_186 = arith.muli %scan3A_109, %mul3A_185 : i32
      %add3A_187 = arith.constant 0 : i32
      %add3A_188 = arith.addi %mul3A_186, %add3A_187 : i32
      %add3A_189 = arith.constant 3 : i32
      %add3A_190 = arith.addi %add3A_184, %add3A_189 : i32
      %lt3A_191 = arith.constant 80 : i32
      %lt3A_192 = arith.cmpi slt, %add3A_190, %lt3A_191 : i32
      %convert_element_type3A_193 = arith.extui %lt3A_192 : i1 to i32
      %cond3A_194 = arith.constant 0 : i32
      %cond3A_195 = arith.cmpi ne, %convert_element_type3A_193, %cond3A_194 : i32
      scf.if %cond3A_195 {
        %add3A_439 = arith.constant 3 : i32
        %add3A_440 = arith.addi %add3A_184, %add3A_439 : i32
        %jit3A_441 = arith.constant 2 : i32
        %div3A_442 = arith.divsi %add3A_440, %jit3A_441 : i32
        %sign3A_443 = arith.constant 0 : i32
        %sign3A_444 = arith.cmpi sgt, %add3A_440, %sign3A_443 : i32
        %sign3A_445 = arith.extui %sign3A_444 : i1 to i32
        %sign3A_446 = arith.constant 0 : i32
        %sign3A_447 = arith.cmpi slt, %add3A_440, %sign3A_446 : i32
        %sign3A_448 = arith.extui %sign3A_447 : i1 to i32
        %sign3A_449 = arith.subi %sign3A_445, %sign3A_448 : i32
        %sign3A_450 = arith.constant 0 : i32
        %sign3A_451 = arith.cmpi sgt, %jit3A_441, %sign3A_450 : i32
        %sign3A_452 = arith.extui %sign3A_451 : i1 to i32
        %sign3A_453 = arith.constant 0 : i32
        %sign3A_454 = arith.cmpi slt, %jit3A_441, %sign3A_453 : i32
        %sign3A_455 = arith.extui %sign3A_454 : i1 to i32
        %sign3A_456 = arith.subi %sign3A_452, %sign3A_455 : i32
        %ne3A_457 = arith.cmpi ne, %sign3A_449, %sign3A_456 : i32
        %rem3A_458 = arith.remsi %add3A_440, %jit3A_441 : i32
        %ne3A_459 = arith.constant 0 : i32
        %ne3A_460 = arith.cmpi ne, %rem3A_458, %ne3A_459 : i32
        %and3A_461 = arith.andi %ne3A_457, %ne3A_460 : i1
        %sub3A_462 = arith.constant 1 : i32
        %sub3A_463 = arith.subi %div3A_442, %sub3A_462 : i32
        %select_n3A_464 = arith.select %and3A_461, %sub3A_463, %div3A_442 : i32
        %mul3A_465 = arith.constant 8 : i32
        %mul3A_466 = arith.muli %select_n3A_464, %mul3A_465 : i32
        %add3A_467 = arith.addi %multiple_of3A, %mul3A_466 : i32
        %multiple_of3A_468 = tpu.assume_multiple %add3A_467, 8 : i32
        %jit3A_469 = arith.constant 2 : i32
        %eq3A_470 = arith.constant 0 : i32
        %eq3A_471 = arith.cmpi eq, %jit3A_469, %eq3A_470 : i32
        %jit3A_472 = arith.constant 1 : i32
        %select_n3A_473 = arith.select %eq3A_471, %jit3A_472, %jit3A_469 : i32
        %rem3A_474 = arith.remsi %add3A_440, %select_n3A_473 : i32
        %ne3A_475 = arith.constant 0 : i32
        %ne3A_476 = arith.cmpi ne, %rem3A_474, %ne3A_475 : i32
        %lt3A_477 = arith.constant 0 : i32
        %lt3A_478 = arith.cmpi slt, %rem3A_474, %lt3A_477 : i32
        %lt3A_479 = arith.constant 0 : i32
        %lt3A_480 = arith.cmpi slt, %select_n3A_473, %lt3A_479 : i32
        %ne3A_481 = arith.xori %lt3A_478, %lt3A_480 : i1
        %and3A_482 = arith.andi %ne3A_481, %ne3A_476 : i1
        %add3A_483 = arith.addi %rem3A_474, %select_n3A_473 : i32
        %select_n3A_484 = arith.select %and3A_482, %add3A_483, %rem3A_474 : i32
        %mul3A_485 = arith.constant 3200 : i32
        %mul3A_486 = arith.muli %select_n3A_484, %mul3A_485 : i32
        %dma_start3A_487 = tpu.memref_slice %arg2[%multiple_of3A_468, %mul3A_486] : memref<16384x6400xf32, #tpu.memory_space<hbm>> -> memref<8x3200xf32, #tpu.memory_space<hbm>>
        %dma_start3A_488 = tpu.memref_slice %arg2[%multiple_of3A_468, %mul3A_486] : memref<16384x6400xf32, #tpu.memory_space<hbm>> -> memref<8x3200xf32, #tpu.memory_space<hbm>>
        tpu.enqueue_dma source(%dma_start3A_488 : memref<8x3200xf32, #tpu.memory_space<hbm>>) target(%arg4 : memref<8x3200xf32, #tpu.memory_space<vmem>>) target_semaphore(%arg10 : memref<!tpu.dma_semaphore, #tpu.memory_space<semaphore_mem>>)
      } else {
      }
      %jit3A_196 = arith.constant 2 : i32
      %div3A_197 = arith.divsi %add3A_184, %jit3A_196 : i32
      %sign3A_198 = arith.constant 0 : i32
      %sign3A_199 = arith.cmpi sgt, %add3A_184, %sign3A_198 : i32
      %sign3A_200 = arith.extui %sign3A_199 : i1 to i32
      %sign3A_201 = arith.constant 0 : i32
      %sign3A_202 = arith.cmpi slt, %add3A_184, %sign3A_201 : i32
      %sign3A_203 = arith.extui %sign3A_202 : i1 to i32
      %sign3A_204 = arith.subi %sign3A_200, %sign3A_203 : i32
      %sign3A_205 = arith.constant 0 : i32
      %sign3A_206 = arith.cmpi sgt, %jit3A_196, %sign3A_205 : i32
      %sign3A_207 = arith.extui %sign3A_206 : i1 to i32
      %sign3A_208 = arith.constant 0 : i32
      %sign3A_209 = arith.cmpi slt, %jit3A_196, %sign3A_208 : i32
      %sign3A_210 = arith.extui %sign3A_209 : i1 to i32
      %sign3A_211 = arith.subi %sign3A_207, %sign3A_210 : i32
      %ne3A_212 = arith.cmpi ne, %sign3A_204, %sign3A_211 : i32
      %rem3A_213 = arith.remsi %add3A_184, %jit3A_196 : i32
      %ne3A_214 = arith.constant 0 : i32
      %ne3A_215 = arith.cmpi ne, %rem3A_213, %ne3A_214 : i32
      %and3A_216 = arith.andi %ne3A_212, %ne3A_215 : i1
      %sub3A_217 = arith.constant 1 : i32
      %sub3A_218 = arith.subi %div3A_197, %sub3A_217 : i32
      %select_n3A_219 = arith.select %and3A_216, %sub3A_218, %div3A_197 : i32
      %mul3A_220 = arith.constant 8 : i32
      %mul3A_221 = arith.muli %select_n3A_219, %mul3A_220 : i32
      %add3A_222 = arith.addi %multiple_of3A, %mul3A_221 : i32
      %multiple_of3A_223 = tpu.assume_multiple %add3A_222, 8 : i32
      %jit3A_224 = arith.constant 2 : i32
      %eq3A_225 = arith.constant 0 : i32
      %eq3A_226 = arith.cmpi eq, %jit3A_224, %eq3A_225 : i32
      %jit3A_227 = arith.constant 1 : i32
      %select_n3A_228 = arith.select %eq3A_226, %jit3A_227, %jit3A_224 : i32
      %rem3A_229 = arith.remsi %add3A_184, %select_n3A_228 : i32
      %ne3A_230 = arith.constant 0 : i32
      %ne3A_231 = arith.cmpi ne, %rem3A_229, %ne3A_230 : i32
      %lt3A_232 = arith.constant 0 : i32
      %lt3A_233 = arith.cmpi slt, %rem3A_229, %lt3A_232 : i32
      %lt3A_234 = arith.constant 0 : i32
      %lt3A_235 = arith.cmpi slt, %select_n3A_228, %lt3A_234 : i32
      %ne3A_236 = arith.xori %lt3A_233, %lt3A_235 : i1
      %and3A_237 = arith.andi %ne3A_236, %ne3A_231 : i1
      %add3A_238 = arith.addi %rem3A_229, %select_n3A_228 : i32
      %select_n3A_239 = arith.select %and3A_237, %add3A_238, %rem3A_229 : i32
      %mul3A_240 = arith.constant 3200 : i32
      %mul3A_241 = arith.muli %select_n3A_239, %mul3A_240 : i32
      %dma_wait3A_242 = tpu.memref_slice %arg2[%multiple_of3A_223, %mul3A_241] : memref<16384x6400xf32, #tpu.memory_space<hbm>> -> memref<8x3200xf32, #tpu.memory_space<hbm>>
      %dma_wait3A_243 = tpu.memref_slice %arg2[%multiple_of3A_223, %mul3A_241] : memref<16384x6400xf32, #tpu.memory_space<hbm>> -> memref<8x3200xf32, #tpu.memory_space<hbm>>
      tpu.wait_dma2 semaphore(%arg11 : memref<!tpu.dma_semaphore, #tpu.memory_space<semaphore_mem>>) src(%dma_wait3A_243 : memref<8x3200xf32, #tpu.memory_space<hbm>>) dst(%arg5 : memref<8x3200xf32, #tpu.memory_space<vmem>>)
      %gather3A_244 = tpu.vector_load_idx %arg5[%broadcast_in_dim3A_45, %sub3A_35] : memref<8x3200xf32, #tpu.memory_space<vmem>>[vector<16xi32>, vector<16xi32>], vector<16xf32>,
      tpu.vector_store_idx %arg8[%broadcast_in_dim3A_45, %add3A_68], %gather3A_244 : memref<8x64xf32, #tpu.memory_space<vmem>>[vector<16xi32>, vector<16xi32>], vector<16xf32>,
      %gather3A_245 = tpu.vector_load_idx %arg5[%broadcast_in_dim3A_45, %sub3A_44] : memref<8x3200xf32, #tpu.memory_space<vmem>>[vector<16xi32>, vector<16xi32>], vector<16xf32>,
      tpu.vector_store_idx %arg8[%broadcast_in_dim3A_45, %add3A_71], %gather3A_245 : memref<8x64xf32, #tpu.memory_space<vmem>>[vector<16xi32>, vector<16xi32>], vector<16xf32>,
      %gather3A_246 = tpu.vector_load_idx %arg5[%broadcast_in_dim3A_47, %sub3A_35] : memref<8x3200xf32, #tpu.memory_space<vmem>>[vector<16xi32>, vector<16xi32>], vector<16xf32>,
      tpu.vector_store_idx %arg8[%broadcast_in_dim3A_47, %add3A_68], %gather3A_246 : memref<8x64xf32, #tpu.memory_space<vmem>>[vector<16xi32>, vector<16xi32>], vector<16xf32>,
      %gather3A_247 = tpu.vector_load_idx %arg5[%broadcast_in_dim3A_47, %sub3A_44] : memref<8x3200xf32, #tpu.memory_space<vmem>>[vector<16xi32>, vector<16xi32>], vector<16xf32>,
      tpu.vector_store_idx %arg8[%broadcast_in_dim3A_47, %add3A_71], %gather3A_247 : memref<8x64xf32, #tpu.memory_space<vmem>>[vector<16xi32>, vector<16xi32>], vector<16xf32>,
      %gather3A_248 = tpu.vector_load_idx %arg5[%broadcast_in_dim3A_49, %sub3A_35] : memref<8x3200xf32, #tpu.memory_space<vmem>>[vector<16xi32>, vector<16xi32>], vector<16xf32>,
      tpu.vector_store_idx %arg8[%broadcast_in_dim3A_49, %add3A_68], %gather3A_248 : memref<8x64xf32, #tpu.memory_space<vmem>>[vector<16xi32>, vector<16xi32>], vector<16xf32>,
      %gather3A_249 = tpu.vector_load_idx %arg5[%broadcast_in_dim3A_49, %sub3A_44] : memref<8x3200xf32, #tpu.memory_space<vmem>>[vector<16xi32>, vector<16xi32>], vector<16xf32>,
      tpu.vector_store_idx %arg8[%broadcast_in_dim3A_49, %add3A_71], %gather3A_249 : memref<8x64xf32, #tpu.memory_space<vmem>>[vector<16xi32>, vector<16xi32>], vector<16xf32>,
      %gather3A_250 = tpu.vector_load_idx %arg5[%broadcast_in_dim3A_51, %sub3A_35] : memref<8x3200xf32, #tpu.memory_space<vmem>>[vector<16xi32>, vector<16xi32>], vector<16xf32>,
      tpu.vector_store_idx %arg8[%broadcast_in_dim3A_51, %add3A_68], %gather3A_250 : memref<8x64xf32, #tpu.memory_space<vmem>>[vector<16xi32>, vector<16xi32>], vector<16xf32>,
      %gather3A_251 = tpu.vector_load_idx %arg5[%broadcast_in_dim3A_51, %sub3A_44] : memref<8x3200xf32, #tpu.memory_space<vmem>>[vector<16xi32>, vector<16xi32>], vector<16xf32>,
      tpu.vector_store_idx %arg8[%broadcast_in_dim3A_51, %add3A_71], %gather3A_251 : memref<8x64xf32, #tpu.memory_space<vmem>>[vector<16xi32>, vector<16xi32>], vector<16xf32>,
      %gather3A_252 = tpu.vector_load_idx %arg5[%broadcast_in_dim3A_53, %sub3A_35] : memref<8x3200xf32, #tpu.memory_space<vmem>>[vector<16xi32>, vector<16xi32>], vector<16xf32>,
      tpu.vector_store_idx %arg8[%broadcast_in_dim3A_53, %add3A_68], %gather3A_252 : memref<8x64xf32, #tpu.memory_space<vmem>>[vector<16xi32>, vector<16xi32>], vector<16xf32>,
      %gather3A_253 = tpu.vector_load_idx %arg5[%broadcast_in_dim3A_53, %sub3A_44] : memref<8x3200xf32, #tpu.memory_space<vmem>>[vector<16xi32>, vector<16xi32>], vector<16xf32>,
      tpu.vector_store_idx %arg8[%broadcast_in_dim3A_53, %add3A_71], %gather3A_253 : memref<8x64xf32, #tpu.memory_space<vmem>>[vector<16xi32>, vector<16xi32>], vector<16xf32>,
      %gather3A_254 = tpu.vector_load_idx %arg5[%broadcast_in_dim3A_55, %sub3A_35] : memref<8x3200xf32, #tpu.memory_space<vmem>>[vector<16xi32>, vector<16xi32>], vector<16xf32>,
      tpu.vector_store_idx %arg8[%broadcast_in_dim3A_55, %add3A_68], %gather3A_254 : memref<8x64xf32, #tpu.memory_space<vmem>>[vector<16xi32>, vector<16xi32>], vector<16xf32>,
      %gather3A_255 = tpu.vector_load_idx %arg5[%broadcast_in_dim3A_55, %sub3A_44] : memref<8x3200xf32, #tpu.memory_space<vmem>>[vector<16xi32>, vector<16xi32>], vector<16xf32>,
      tpu.vector_store_idx %arg8[%broadcast_in_dim3A_55, %add3A_71], %gather3A_255 : memref<8x64xf32, #tpu.memory_space<vmem>>[vector<16xi32>, vector<16xi32>], vector<16xf32>,
      %gather3A_256 = tpu.vector_load_idx %arg5[%broadcast_in_dim3A_57, %sub3A_35] : memref<8x3200xf32, #tpu.memory_space<vmem>>[vector<16xi32>, vector<16xi32>], vector<16xf32>,
      tpu.vector_store_idx %arg8[%broadcast_in_dim3A_57, %add3A_68], %gather3A_256 : memref<8x64xf32, #tpu.memory_space<vmem>>[vector<16xi32>, vector<16xi32>], vector<16xf32>,
      %gather3A_257 = tpu.vector_load_idx %arg5[%broadcast_in_dim3A_57, %sub3A_44] : memref<8x3200xf32, #tpu.memory_space<vmem>>[vector<16xi32>, vector<16xi32>], vector<16xf32>,
      tpu.vector_store_idx %arg8[%broadcast_in_dim3A_57, %add3A_71], %gather3A_257 : memref<8x64xf32, #tpu.memory_space<vmem>>[vector<16xi32>, vector<16xi32>], vector<16xf32>,
      %gather3A_258 = tpu.vector_load_idx %arg5[%broadcast_in_dim3A_59, %sub3A_35] : memref<8x3200xf32, #tpu.memory_space<vmem>>[vector<16xi32>, vector<16xi32>], vector<16xf32>,
      tpu.vector_store_idx %arg8[%broadcast_in_dim3A_59, %add3A_68], %gather3A_258 : memref<8x64xf32, #tpu.memory_space<vmem>>[vector<16xi32>, vector<16xi32>], vector<16xf32>,
      %gather3A_259 = tpu.vector_load_idx %arg5[%broadcast_in_dim3A_59, %sub3A_44] : memref<8x3200xf32, #tpu.memory_space<vmem>>[vector<16xi32>, vector<16xi32>], vector<16xf32>,
      tpu.vector_store_idx %arg8[%broadcast_in_dim3A_59, %add3A_71], %gather3A_259 : memref<8x64xf32, #tpu.memory_space<vmem>>[vector<16xi32>, vector<16xi32>], vector<16xf32>,
      %mul3A_260 = arith.constant 8 : i32
      %mul3A_261 = arith.muli %add3A_188, %mul3A_260 : i32
      %add3A_262 = arith.addi %multiple_of3A_9, %mul3A_261 : i32
      %multiple_of3A_263 = tpu.assume_multiple %add3A_262, 8 : i32
      %dma_start3A_264 = arith.constant 0 : i32
      %dma_start3A_265 = tpu.memref_slice %arg3[%multiple_of3A_263, %dma_start3A_264] : memref<16384x64xf32, #tpu.memory_space<hbm>> -> memref<8x64xf32, #tpu.memory_space<hbm>>
      %dma_start3A_266 = arith.constant 0 : i32
      %dma_start3A_267 = tpu.memref_slice %arg3[%multiple_of3A_263, %dma_start3A_266] : memref<16384x64xf32, #tpu.memory_space<hbm>> -> memref<8x64xf32, #tpu.memory_space<hbm>>
      tpu.enqueue_dma source(%arg8 : memref<8x64xf32, #tpu.memory_space<vmem>>) target(%dma_start3A_267 : memref<8x64xf32, #tpu.memory_space<hbm>>) target_semaphore(%arg14 : memref<!tpu.dma_semaphore, #tpu.memory_space<semaphore_mem>>)
      %mul3A_268 = arith.constant 4 : i32
      %mul3A_269 = arith.muli %scan3A_109, %mul3A_268 : i32
      %add3A_270 = arith.constant 2 : i32
      %add3A_271 = arith.addi %mul3A_269, %add3A_270 : i32
      %mul3A_272 = arith.constant 2 : i32
      %mul3A_273 = arith.muli %scan3A_109, %mul3A_272 : i32
      %add3A_274 = arith.constant 1 : i32
      %add3A_275 = arith.addi %mul3A_273, %add3A_274 : i32
      %add3A_276 = arith.constant 3 : i32
      %add3A_277 = arith.addi %add3A_271, %add3A_276 : i32
      %lt3A_278 = arith.constant 80 : i32
      %lt3A_279 = arith.cmpi slt, %add3A_277, %lt3A_278 : i32
      %convert_element_type3A_280 = arith.extui %lt3A_279 : i1 to i32
      %cond3A_281 = arith.constant 0 : i32
      %cond3A_282 = arith.cmpi ne, %convert_element_type3A_280, %cond3A_281 : i32
      scf.if %cond3A_282 {
        %add3A_439 = arith.constant 3 : i32
        %add3A_440 = arith.addi %add3A_271, %add3A_439 : i32
        %jit3A_441 = arith.constant 2 : i32
        %div3A_442 = arith.divsi %add3A_440, %jit3A_441 : i32
        %sign3A_443 = arith.constant 0 : i32
        %sign3A_444 = arith.cmpi sgt, %add3A_440, %sign3A_443 : i32
        %sign3A_445 = arith.extui %sign3A_444 : i1 to i32
        %sign3A_446 = arith.constant 0 : i32
        %sign3A_447 = arith.cmpi slt, %add3A_440, %sign3A_446 : i32
        %sign3A_448 = arith.extui %sign3A_447 : i1 to i32
        %sign3A_449 = arith.subi %sign3A_445, %sign3A_448 : i32
        %sign3A_450 = arith.constant 0 : i32
        %sign3A_451 = arith.cmpi sgt, %jit3A_441, %sign3A_450 : i32
        %sign3A_452 = arith.extui %sign3A_451 : i1 to i32
        %sign3A_453 = arith.constant 0 : i32
        %sign3A_454 = arith.cmpi slt, %jit3A_441, %sign3A_453 : i32
        %sign3A_455 = arith.extui %sign3A_454 : i1 to i32
        %sign3A_456 = arith.subi %sign3A_452, %sign3A_455 : i32
        %ne3A_457 = arith.cmpi ne, %sign3A_449, %sign3A_456 : i32
        %rem3A_458 = arith.remsi %add3A_440, %jit3A_441 : i32
        %ne3A_459 = arith.constant 0 : i32
        %ne3A_460 = arith.cmpi ne, %rem3A_458, %ne3A_459 : i32
        %and3A_461 = arith.andi %ne3A_457, %ne3A_460 : i1
        %sub3A_462 = arith.constant 1 : i32
        %sub3A_463 = arith.subi %div3A_442, %sub3A_462 : i32
        %select_n3A_464 = arith.select %and3A_461, %sub3A_463, %div3A_442 : i32
        %mul3A_465 = arith.constant 8 : i32
        %mul3A_466 = arith.muli %select_n3A_464, %mul3A_465 : i32
        %add3A_467 = arith.addi %multiple_of3A, %mul3A_466 : i32
        %multiple_of3A_468 = tpu.assume_multiple %add3A_467, 8 : i32
        %jit3A_469 = arith.constant 2 : i32
        %eq3A_470 = arith.constant 0 : i32
        %eq3A_471 = arith.cmpi eq, %jit3A_469, %eq3A_470 : i32
        %jit3A_472 = arith.constant 1 : i32
        %select_n3A_473 = arith.select %eq3A_471, %jit3A_472, %jit3A_469 : i32
        %rem3A_474 = arith.remsi %add3A_440, %select_n3A_473 : i32
        %ne3A_475 = arith.constant 0 : i32
        %ne3A_476 = arith.cmpi ne, %rem3A_474, %ne3A_475 : i32
        %lt3A_477 = arith.constant 0 : i32
        %lt3A_478 = arith.cmpi slt, %rem3A_474, %lt3A_477 : i32
        %lt3A_479 = arith.constant 0 : i32
        %lt3A_480 = arith.cmpi slt, %select_n3A_473, %lt3A_479 : i32
        %ne3A_481 = arith.xori %lt3A_478, %lt3A_480 : i1
        %and3A_482 = arith.andi %ne3A_481, %ne3A_476 : i1
        %add3A_483 = arith.addi %rem3A_474, %select_n3A_473 : i32
        %select_n3A_484 = arith.select %and3A_482, %add3A_483, %rem3A_474 : i32
        %mul3A_485 = arith.constant 3200 : i32
        %mul3A_486 = arith.muli %select_n3A_484, %mul3A_485 : i32
        %dma_start3A_487 = tpu.memref_slice %arg2[%multiple_of3A_468, %mul3A_486] : memref<16384x6400xf32, #tpu.memory_space<hbm>> -> memref<8x3200xf32, #tpu.memory_space<hbm>>
        %dma_start3A_488 = tpu.memref_slice %arg2[%multiple_of3A_468, %mul3A_486] : memref<16384x6400xf32, #tpu.memory_space<hbm>> -> memref<8x3200xf32, #tpu.memory_space<hbm>>
        tpu.enqueue_dma source(%dma_start3A_488 : memref<8x3200xf32, #tpu.memory_space<hbm>>) target(%arg5 : memref<8x3200xf32, #tpu.memory_space<vmem>>) target_semaphore(%arg11 : memref<!tpu.dma_semaphore, #tpu.memory_space<semaphore_mem>>)
      } else {
      }
      %jit3A_283 = arith.constant 2 : i32
      %div3A_284 = arith.divsi %add3A_271, %jit3A_283 : i32
      %sign3A_285 = arith.constant 0 : i32
      %sign3A_286 = arith.cmpi sgt, %add3A_271, %sign3A_285 : i32
      %sign3A_287 = arith.extui %sign3A_286 : i1 to i32
      %sign3A_288 = arith.constant 0 : i32
      %sign3A_289 = arith.cmpi slt, %add3A_271, %sign3A_288 : i32
      %sign3A_290 = arith.extui %sign3A_289 : i1 to i32
      %sign3A_291 = arith.subi %sign3A_287, %sign3A_290 : i32
      %sign3A_292 = arith.constant 0 : i32
      %sign3A_293 = arith.cmpi sgt, %jit3A_283, %sign3A_292 : i32
      %sign3A_294 = arith.extui %sign3A_293 : i1 to i32
      %sign3A_295 = arith.constant 0 : i32
      %sign3A_296 = arith.cmpi slt, %jit3A_283, %sign3A_295 : i32
      %sign3A_297 = arith.extui %sign3A_296 : i1 to i32
      %sign3A_298 = arith.subi %sign3A_294, %sign3A_297 : i32
      %ne3A_299 = arith.cmpi ne, %sign3A_291, %sign3A_298 : i32
      %rem3A_300 = arith.remsi %add3A_271, %jit3A_283 : i32
      %ne3A_301 = arith.constant 0 : i32
      %ne3A_302 = arith.cmpi ne, %rem3A_300, %ne3A_301 : i32
      %and3A_303 = arith.andi %ne3A_299, %ne3A_302 : i1
      %sub3A_304 = arith.constant 1 : i32
      %sub3A_305 = arith.subi %div3A_284, %sub3A_304 : i32
      %select_n3A_306 = arith.select %and3A_303, %sub3A_305, %div3A_284 : i32
      %mul3A_307 = arith.constant 8 : i32
      %mul3A_308 = arith.muli %select_n3A_306, %mul3A_307 : i32
      %add3A_309 = arith.addi %multiple_of3A, %mul3A_308 : i32
      %multiple_of3A_310 = tpu.assume_multiple %add3A_309, 8 : i32
      %jit3A_311 = arith.constant 2 : i32
      %eq3A_312 = arith.constant 0 : i32
      %eq3A_313 = arith.cmpi eq, %jit3A_311, %eq3A_312 : i32
      %jit3A_314 = arith.constant 1 : i32
      %select_n3A_315 = arith.select %eq3A_313, %jit3A_314, %jit3A_311 : i32
      %rem3A_316 = arith.remsi %add3A_271, %select_n3A_315 : i32
      %ne3A_317 = arith.constant 0 : i32
      %ne3A_318 = arith.cmpi ne, %rem3A_316, %ne3A_317 : i32
      %lt3A_319 = arith.constant 0 : i32
      %lt3A_320 = arith.cmpi slt, %rem3A_316, %lt3A_319 : i32
      %lt3A_321 = arith.constant 0 : i32
      %lt3A_322 = arith.cmpi slt, %select_n3A_315, %lt3A_321 : i32
      %ne3A_323 = arith.xori %lt3A_320, %lt3A_322 : i1
      %and3A_324 = arith.andi %ne3A_323, %ne3A_318 : i1
      %add3A_325 = arith.addi %rem3A_316, %select_n3A_315 : i32
      %select_n3A_326 = arith.select %and3A_324, %add3A_325, %rem3A_316 : i32
      %mul3A_327 = arith.constant 3200 : i32
      %mul3A_328 = arith.muli %select_n3A_326, %mul3A_327 : i32
      %dma_wait3A_329 = tpu.memref_slice %arg2[%multiple_of3A_310, %mul3A_328] : memref<16384x6400xf32, #tpu.memory_space<hbm>> -> memref<8x3200xf32, #tpu.memory_space<hbm>>
      %dma_wait3A_330 = tpu.memref_slice %arg2[%multiple_of3A_310, %mul3A_328] : memref<16384x6400xf32, #tpu.memory_space<hbm>> -> memref<8x3200xf32, #tpu.memory_space<hbm>>
      tpu.wait_dma2 semaphore(%arg12 : memref<!tpu.dma_semaphore, #tpu.memory_space<semaphore_mem>>) src(%dma_wait3A_330 : memref<8x3200xf32, #tpu.memory_space<hbm>>) dst(%arg6 : memref<8x3200xf32, #tpu.memory_space<vmem>>)
      %ge3A_331 = arith.constant 2 : i32
      %ge3A_332 = arith.cmpi sge, %add3A_275, %ge3A_331 : i32
      %convert_element_type3A_333 = arith.extui %ge3A_332 : i1 to i32
      %cond3A_334 = arith.constant 0 : i32
      %cond3A_335 = arith.cmpi ne, %convert_element_type3A_333, %cond3A_334 : i32
      scf.if %cond3A_335 {
        %sub3A_439 = arith.constant 2 : i32
        %sub3A_440 = arith.subi %add3A_275, %sub3A_439 : i32
        %mul3A_441 = arith.constant 8 : i32
        %mul3A_442 = arith.muli %sub3A_440, %mul3A_441 : i32
        %add3A_443 = arith.addi %multiple_of3A_9, %mul3A_442 : i32
        %multiple_of3A_444 = tpu.assume_multiple %add3A_443, 8 : i32
        %dma_wait3A_445 = arith.constant 0 : i32
        %dma_wait3A_446 = tpu.memref_slice %arg3[%multiple_of3A_444, %dma_wait3A_445] : memref<16384x64xf32, #tpu.memory_space<hbm>> -> memref<8x64xf32, #tpu.memory_space<hbm>>
        %dma_wait3A_447 = arith.constant 0 : i32
        %dma_wait3A_448 = tpu.memref_slice %arg3[%multiple_of3A_444, %dma_wait3A_447] : memref<16384x64xf32, #tpu.memory_space<hbm>> -> memref<8x64xf32, #tpu.memory_space<hbm>>
        tpu.wait_dma2 semaphore(%arg15 : memref<!tpu.dma_semaphore, #tpu.memory_space<semaphore_mem>>) src(%arg9 : memref<8x64xf32, #tpu.memory_space<vmem>>) dst(%dma_wait3A_448 : memref<8x64xf32, #tpu.memory_space<hbm>>)
      } else {
      }
      %gather3A_336 = tpu.vector_load_idx %arg6[%broadcast_in_dim3A_45, %sub3A_17] : memref<8x3200xf32, #tpu.memory_space<vmem>>[vector<16xi32>, vector<16xi32>], vector<16xf32>,
      tpu.vector_store_idx %arg9[%broadcast_in_dim3A_45, %add3A_62], %gather3A_336 : memref<8x64xf32, #tpu.memory_space<vmem>>[vector<16xi32>, vector<16xi32>], vector<16xf32>,
      %gather3A_337 = tpu.vector_load_idx %arg6[%broadcast_in_dim3A_45, %sub3A_26] : memref<8x3200xf32, #tpu.memory_space<vmem>>[vector<16xi32>, vector<16xi32>], vector<16xf32>,
      tpu.vector_store_idx %arg9[%broadcast_in_dim3A_45, %add3A_65], %gather3A_337 : memref<8x64xf32, #tpu.memory_space<vmem>>[vector<16xi32>, vector<16xi32>], vector<16xf32>,
      %gather3A_338 = tpu.vector_load_idx %arg6[%broadcast_in_dim3A_47, %sub3A_17] : memref<8x3200xf32, #tpu.memory_space<vmem>>[vector<16xi32>, vector<16xi32>], vector<16xf32>,
      tpu.vector_store_idx %arg9[%broadcast_in_dim3A_47, %add3A_62], %gather3A_338 : memref<8x64xf32, #tpu.memory_space<vmem>>[vector<16xi32>, vector<16xi32>], vector<16xf32>,
      %gather3A_339 = tpu.vector_load_idx %arg6[%broadcast_in_dim3A_47, %sub3A_26] : memref<8x3200xf32, #tpu.memory_space<vmem>>[vector<16xi32>, vector<16xi32>], vector<16xf32>,
      tpu.vector_store_idx %arg9[%broadcast_in_dim3A_47, %add3A_65], %gather3A_339 : memref<8x64xf32, #tpu.memory_space<vmem>>[vector<16xi32>, vector<16xi32>], vector<16xf32>,
      %gather3A_340 = tpu.vector_load_idx %arg6[%broadcast_in_dim3A_49, %sub3A_17] : memref<8x3200xf32, #tpu.memory_space<vmem>>[vector<16xi32>, vector<16xi32>], vector<16xf32>,
      tpu.vector_store_idx %arg9[%broadcast_in_dim3A_49, %add3A_62], %gather3A_340 : memref<8x64xf32, #tpu.memory_space<vmem>>[vector<16xi32>, vector<16xi32>], vector<16xf32>,
      %gather3A_341 = tpu.vector_load_idx %arg6[%broadcast_in_dim3A_49, %sub3A_26] : memref<8x3200xf32, #tpu.memory_space<vmem>>[vector<16xi32>, vector<16xi32>], vector<16xf32>,
      tpu.vector_store_idx %arg9[%broadcast_in_dim3A_49, %add3A_65], %gather3A_341 : memref<8x64xf32, #tpu.memory_space<vmem>>[vector<16xi32>, vector<16xi32>], vector<16xf32>,
      %gather3A_342 = tpu.vector_load_idx %arg6[%broadcast_in_dim3A_51, %sub3A_17] : memref<8x3200xf32, #tpu.memory_space<vmem>>[vector<16xi32>, vector<16xi32>], vector<16xf32>,
      tpu.vector_store_idx %arg9[%broadcast_in_dim3A_51, %add3A_62], %gather3A_342 : memref<8x64xf32, #tpu.memory_space<vmem>>[vector<16xi32>, vector<16xi32>], vector<16xf32>,
      %gather3A_343 = tpu.vector_load_idx %arg6[%broadcast_in_dim3A_51, %sub3A_26] : memref<8x3200xf32, #tpu.memory_space<vmem>>[vector<16xi32>, vector<16xi32>], vector<16xf32>,
      tpu.vector_store_idx %arg9[%broadcast_in_dim3A_51, %add3A_65], %gather3A_343 : memref<8x64xf32, #tpu.memory_space<vmem>>[vector<16xi32>, vector<16xi32>], vector<16xf32>,
      %gather3A_344 = tpu.vector_load_idx %arg6[%broadcast_in_dim3A_53, %sub3A_17] : memref<8x3200xf32, #tpu.memory_space<vmem>>[vector<16xi32>, vector<16xi32>], vector<16xf32>,
      tpu.vector_store_idx %arg9[%broadcast_in_dim3A_53, %add3A_62], %gather3A_344 : memref<8x64xf32, #tpu.memory_space<vmem>>[vector<16xi32>, vector<16xi32>], vector<16xf32>,
      %gather3A_345 = tpu.vector_load_idx %arg6[%broadcast_in_dim3A_53, %sub3A_26] : memref<8x3200xf32, #tpu.memory_space<vmem>>[vector<16xi32>, vector<16xi32>], vector<16xf32>,
      tpu.vector_store_idx %arg9[%broadcast_in_dim3A_53, %add3A_65], %gather3A_345 : memref<8x64xf32, #tpu.memory_space<vmem>>[vector<16xi32>, vector<16xi32>], vector<16xf32>,
      %gather3A_346 = tpu.vector_load_idx %arg6[%broadcast_in_dim3A_55, %sub3A_17] : memref<8x3200xf32, #tpu.memory_space<vmem>>[vector<16xi32>, vector<16xi32>], vector<16xf32>,
      tpu.vector_store_idx %arg9[%broadcast_in_dim3A_55, %add3A_62], %gather3A_346 : memref<8x64xf32, #tpu.memory_space<vmem>>[vector<16xi32>, vector<16xi32>], vector<16xf32>,
      %gather3A_347 = tpu.vector_load_idx %arg6[%broadcast_in_dim3A_55, %sub3A_26] : memref<8x3200xf32, #tpu.memory_space<vmem>>[vector<16xi32>, vector<16xi32>], vector<16xf32>,
      tpu.vector_store_idx %arg9[%broadcast_in_dim3A_55, %add3A_65], %gather3A_347 : memref<8x64xf32, #tpu.memory_space<vmem>>[vector<16xi32>, vector<16xi32>], vector<16xf32>,
      %gather3A_348 = tpu.vector_load_idx %arg6[%broadcast_in_dim3A_57, %sub3A_17] : memref<8x3200xf32, #tpu.memory_space<vmem>>[vector<16xi32>, vector<16xi32>], vector<16xf32>,
      tpu.vector_store_idx %arg9[%broadcast_in_dim3A_57, %add3A_62], %gather3A_348 : memref<8x64xf32, #tpu.memory_space<vmem>>[vector<16xi32>, vector<16xi32>], vector<16xf32>,
      %gather3A_349 = tpu.vector_load_idx %arg6[%broadcast_in_dim3A_57, %sub3A_26] : memref<8x3200xf32, #tpu.memory_space<vmem>>[vector<16xi32>, vector<16xi32>], vector<16xf32>,
      tpu.vector_store_idx %arg9[%broadcast_in_dim3A_57, %add3A_65], %gather3A_349 : memref<8x64xf32, #tpu.memory_space<vmem>>[vector<16xi32>, vector<16xi32>], vector<16xf32>,
      %gather3A_350 = tpu.vector_load_idx %arg6[%broadcast_in_dim3A_59, %sub3A_17] : memref<8x3200xf32, #tpu.memory_space<vmem>>[vector<16xi32>, vector<16xi32>], vector<16xf32>,
      tpu.vector_store_idx %arg9[%broadcast_in_dim3A_59, %add3A_62], %gather3A_350 : memref<8x64xf32, #tpu.memory_space<vmem>>[vector<16xi32>, vector<16xi32>], vector<16xf32>,
      %gather3A_351 = tpu.vector_load_idx %arg6[%broadcast_in_dim3A_59, %sub3A_26] : memref<8x3200xf32, #tpu.memory_space<vmem>>[vector<16xi32>, vector<16xi32>], vector<16xf32>,
      tpu.vector_store_idx %arg9[%broadcast_in_dim3A_59, %add3A_65], %gather3A_351 : memref<8x64xf32, #tpu.memory_space<vmem>>[vector<16xi32>, vector<16xi32>], vector<16xf32>,
      %mul3A_352 = arith.constant 4 : i32
      %mul3A_353 = arith.muli %scan3A_109, %mul3A_352 : i32
      %add3A_354 = arith.constant 3 : i32
      %add3A_355 = arith.addi %mul3A_353, %add3A_354 : i32
      %mul3A_356 = arith.constant 2 : i32
      %mul3A_357 = arith.muli %scan3A_109, %mul3A_356 : i32
      %add3A_358 = arith.constant 1 : i32
      %add3A_359 = arith.addi %mul3A_357, %add3A_358 : i32
      %add3A_360 = arith.constant 3 : i32
      %add3A_361 = arith.addi %add3A_355, %add3A_360 : i32
      %lt3A_362 = arith.constant 80 : i32
      %lt3A_363 = arith.cmpi slt, %add3A_361, %lt3A_362 : i32
      %convert_element_type3A_364 = arith.extui %lt3A_363 : i1 to i32
      %cond3A_365 = arith.constant 0 : i32
      %cond3A_366 = arith.cmpi ne, %convert_element_type3A_364, %cond3A_365 : i32
      scf.if %cond3A_366 {
        %add3A_439 = arith.constant 3 : i32
        %add3A_440 = arith.addi %add3A_355, %add3A_439 : i32
        %jit3A_441 = arith.constant 2 : i32
        %div3A_442 = arith.divsi %add3A_440, %jit3A_441 : i32
        %sign3A_443 = arith.constant 0 : i32
        %sign3A_444 = arith.cmpi sgt, %add3A_440, %sign3A_443 : i32
        %sign3A_445 = arith.extui %sign3A_444 : i1 to i32
        %sign3A_446 = arith.constant 0 : i32
        %sign3A_447 = arith.cmpi slt, %add3A_440, %sign3A_446 : i32
        %sign3A_448 = arith.extui %sign3A_447 : i1 to i32
        %sign3A_449 = arith.subi %sign3A_445, %sign3A_448 : i32
        %sign3A_450 = arith.constant 0 : i32
        %sign3A_451 = arith.cmpi sgt, %jit3A_441, %sign3A_450 : i32
        %sign3A_452 = arith.extui %sign3A_451 : i1 to i32
        %sign3A_453 = arith.constant 0 : i32
        %sign3A_454 = arith.cmpi slt, %jit3A_441, %sign3A_453 : i32
        %sign3A_455 = arith.extui %sign3A_454 : i1 to i32
        %sign3A_456 = arith.subi %sign3A_452, %sign3A_455 : i32
        %ne3A_457 = arith.cmpi ne, %sign3A_449, %sign3A_456 : i32
        %rem3A_458 = arith.remsi %add3A_440, %jit3A_441 : i32
        %ne3A_459 = arith.constant 0 : i32
        %ne3A_460 = arith.cmpi ne, %rem3A_458, %ne3A_459 : i32
        %and3A_461 = arith.andi %ne3A_457, %ne3A_460 : i1
        %sub3A_462 = arith.constant 1 : i32
        %sub3A_463 = arith.subi %div3A_442, %sub3A_462 : i32
        %select_n3A_464 = arith.select %and3A_461, %sub3A_463, %div3A_442 : i32
        %mul3A_465 = arith.constant 8 : i32
        %mul3A_466 = arith.muli %select_n3A_464, %mul3A_465 : i32
        %add3A_467 = arith.addi %multiple_of3A, %mul3A_466 : i32
        %multiple_of3A_468 = tpu.assume_multiple %add3A_467, 8 : i32
        %jit3A_469 = arith.constant 2 : i32
        %eq3A_470 = arith.constant 0 : i32
        %eq3A_471 = arith.cmpi eq, %jit3A_469, %eq3A_470 : i32
        %jit3A_472 = arith.constant 1 : i32
        %select_n3A_473 = arith.select %eq3A_471, %jit3A_472, %jit3A_469 : i32
        %rem3A_474 = arith.remsi %add3A_440, %select_n3A_473 : i32
        %ne3A_475 = arith.constant 0 : i32
        %ne3A_476 = arith.cmpi ne, %rem3A_474, %ne3A_475 : i32
        %lt3A_477 = arith.constant 0 : i32
        %lt3A_478 = arith.cmpi slt, %rem3A_474, %lt3A_477 : i32
        %lt3A_479 = arith.constant 0 : i32
        %lt3A_480 = arith.cmpi slt, %select_n3A_473, %lt3A_479 : i32
        %ne3A_481 = arith.xori %lt3A_478, %lt3A_480 : i1
        %and3A_482 = arith.andi %ne3A_481, %ne3A_476 : i1
        %add3A_483 = arith.addi %rem3A_474, %select_n3A_473 : i32
        %select_n3A_484 = arith.select %and3A_482, %add3A_483, %rem3A_474 : i32
        %mul3A_485 = arith.constant 3200 : i32
        %mul3A_486 = arith.muli %select_n3A_484, %mul3A_485 : i32
        %dma_start3A_487 = tpu.memref_slice %arg2[%multiple_of3A_468, %mul3A_486] : memref<16384x6400xf32, #tpu.memory_space<hbm>> -> memref<8x3200xf32, #tpu.memory_space<hbm>>
        %dma_start3A_488 = tpu.memref_slice %arg2[%multiple_of3A_468, %mul3A_486] : memref<16384x6400xf32, #tpu.memory_space<hbm>> -> memref<8x3200xf32, #tpu.memory_space<hbm>>
        tpu.enqueue_dma source(%dma_start3A_488 : memref<8x3200xf32, #tpu.memory_space<hbm>>) target(%arg6 : memref<8x3200xf32, #tpu.memory_space<vmem>>) target_semaphore(%arg12 : memref<!tpu.dma_semaphore, #tpu.memory_space<semaphore_mem>>)
      } else {
      }
      %jit3A_367 = arith.constant 2 : i32
      %div3A_368 = arith.divsi %add3A_355, %jit3A_367 : i32
      %sign3A_369 = arith.constant 0 : i32
      %sign3A_370 = arith.cmpi sgt, %add3A_355, %sign3A_369 : i32
      %sign3A_371 = arith.extui %sign3A_370 : i1 to i32
      %sign3A_372 = arith.constant 0 : i32
      %sign3A_373 = arith.cmpi slt, %add3A_355, %sign3A_372 : i32
      %sign3A_374 = arith.extui %sign3A_373 : i1 to i32
      %sign3A_375 = arith.subi %sign3A_371, %sign3A_374 : i32
      %sign3A_376 = arith.constant 0 : i32
      %sign3A_377 = arith.cmpi sgt, %jit3A_367, %sign3A_376 : i32
      %sign3A_378 = arith.extui %sign3A_377 : i1 to i32
      %sign3A_379 = arith.constant 0 : i32
      %sign3A_380 = arith.cmpi slt, %jit3A_367, %sign3A_379 : i32
      %sign3A_381 = arith.extui %sign3A_380 : i1 to i32
      %sign3A_382 = arith.subi %sign3A_378, %sign3A_381 : i32
      %ne3A_383 = arith.cmpi ne, %sign3A_375, %sign3A_382 : i32
      %rem3A_384 = arith.remsi %add3A_355, %jit3A_367 : i32
      %ne3A_385 = arith.constant 0 : i32
      %ne3A_386 = arith.cmpi ne, %rem3A_384, %ne3A_385 : i32
      %and3A_387 = arith.andi %ne3A_383, %ne3A_386 : i1
      %sub3A_388 = arith.constant 1 : i32
      %sub3A_389 = arith.subi %div3A_368, %sub3A_388 : i32
      %select_n3A_390 = arith.select %and3A_387, %sub3A_389, %div3A_368 : i32
      %mul3A_391 = arith.constant 8 : i32
      %mul3A_392 = arith.muli %select_n3A_390, %mul3A_391 : i32
      %add3A_393 = arith.addi %multiple_of3A, %mul3A_392 : i32
      %multiple_of3A_394 = tpu.assume_multiple %add3A_393, 8 : i32
      %jit3A_395 = arith.constant 2 : i32
      %eq3A_396 = arith.constant 0 : i32
      %eq3A_397 = arith.cmpi eq, %jit3A_395, %eq3A_396 : i32
      %jit3A_398 = arith.constant 1 : i32
      %select_n3A_399 = arith.select %eq3A_397, %jit3A_398, %jit3A_395 : i32
      %rem3A_400 = arith.remsi %add3A_355, %select_n3A_399 : i32
      %ne3A_401 = arith.constant 0 : i32
      %ne3A_402 = arith.cmpi ne, %rem3A_400, %ne3A_401 : i32
      %lt3A_403 = arith.constant 0 : i32
      %lt3A_404 = arith.cmpi slt, %rem3A_400, %lt3A_403 : i32
      %lt3A_405 = arith.constant 0 : i32
      %lt3A_406 = arith.cmpi slt, %select_n3A_399, %lt3A_405 : i32
      %ne3A_407 = arith.xori %lt3A_404, %lt3A_406 : i1
      %and3A_408 = arith.andi %ne3A_407, %ne3A_402 : i1
      %add3A_409 = arith.addi %rem3A_400, %select_n3A_399 : i32
      %select_n3A_410 = arith.select %and3A_408, %add3A_409, %rem3A_400 : i32
      %mul3A_411 = arith.constant 3200 : i32
      %mul3A_412 = arith.muli %select_n3A_410, %mul3A_411 : i32
      %dma_wait3A_413 = tpu.memref_slice %arg2[%multiple_of3A_394, %mul3A_412] : memref<16384x6400xf32, #tpu.memory_space<hbm>> -> memref<8x3200xf32, #tpu.memory_space<hbm>>
      %dma_wait3A_414 = tpu.memref_slice %arg2[%multiple_of3A_394, %mul3A_412] : memref<16384x6400xf32, #tpu.memory_space<hbm>> -> memref<8x3200xf32, #tpu.memory_space<hbm>>
      tpu.wait_dma2 semaphore(%arg13 : memref<!tpu.dma_semaphore, #tpu.memory_space<semaphore_mem>>) src(%dma_wait3A_414 : memref<8x3200xf32, #tpu.memory_space<hbm>>) dst(%arg7 : memref<8x3200xf32, #tpu.memory_space<vmem>>)
      %gather3A_415 = tpu.vector_load_idx %arg7[%broadcast_in_dim3A_45, %sub3A_35] : memref<8x3200xf32, #tpu.memory_space<vmem>>[vector<16xi32>, vector<16xi32>], vector<16xf32>,
      tpu.vector_store_idx %arg9[%broadcast_in_dim3A_45, %add3A_68], %gather3A_415 : memref<8x64xf32, #tpu.memory_space<vmem>>[vector<16xi32>, vector<16xi32>], vector<16xf32>,
      %gather3A_416 = tpu.vector_load_idx %arg7[%broadcast_in_dim3A_45, %sub3A_44] : memref<8x3200xf32, #tpu.memory_space<vmem>>[vector<16xi32>, vector<16xi32>], vector<16xf32>,
      tpu.vector_store_idx %arg9[%broadcast_in_dim3A_45, %add3A_71], %gather3A_416 : memref<8x64xf32, #tpu.memory_space<vmem>>[vector<16xi32>, vector<16xi32>], vector<16xf32>,
      %gather3A_417 = tpu.vector_load_idx %arg7[%broadcast_in_dim3A_47, %sub3A_35] : memref<8x3200xf32, #tpu.memory_space<vmem>>[vector<16xi32>, vector<16xi32>], vector<16xf32>,
      tpu.vector_store_idx %arg9[%broadcast_in_dim3A_47, %add3A_68], %gather3A_417 : memref<8x64xf32, #tpu.memory_space<vmem>>[vector<16xi32>, vector<16xi32>], vector<16xf32>,
      %gather3A_418 = tpu.vector_load_idx %arg7[%broadcast_in_dim3A_47, %sub3A_44] : memref<8x3200xf32, #tpu.memory_space<vmem>>[vector<16xi32>, vector<16xi32>], vector<16xf32>,
      tpu.vector_store_idx %arg9[%broadcast_in_dim3A_47, %add3A_71], %gather3A_418 : memref<8x64xf32, #tpu.memory_space<vmem>>[vector<16xi32>, vector<16xi32>], vector<16xf32>,
      %gather3A_419 = tpu.vector_load_idx %arg7[%broadcast_in_dim3A_49, %sub3A_35] : memref<8x3200xf32, #tpu.memory_space<vmem>>[vector<16xi32>, vector<16xi32>], vector<16xf32>,
      tpu.vector_store_idx %arg9[%broadcast_in_dim3A_49, %add3A_68], %gather3A_419 : memref<8x64xf32, #tpu.memory_space<vmem>>[vector<16xi32>, vector<16xi32>], vector<16xf32>,
      %gather3A_420 = tpu.vector_load_idx %arg7[%broadcast_in_dim3A_49, %sub3A_44] : memref<8x3200xf32, #tpu.memory_space<vmem>>[vector<16xi32>, vector<16xi32>], vector<16xf32>,
      tpu.vector_store_idx %arg9[%broadcast_in_dim3A_49, %add3A_71], %gather3A_420 : memref<8x64xf32, #tpu.memory_space<vmem>>[vector<16xi32>, vector<16xi32>], vector<16xf32>,
      %gather3A_421 = tpu.vector_load_idx %arg7[%broadcast_in_dim3A_51, %sub3A_35] : memref<8x3200xf32, #tpu.memory_space<vmem>>[vector<16xi32>, vector<16xi32>], vector<16xf32>,
      tpu.vector_store_idx %arg9[%broadcast_in_dim3A_51, %add3A_68], %gather3A_421 : memref<8x64xf32, #tpu.memory_space<vmem>>[vector<16xi32>, vector<16xi32>], vector<16xf32>,
      %gather3A_422 = tpu.vector_load_idx %arg7[%broadcast_in_dim3A_51, %sub3A_44] : memref<8x3200xf32, #tpu.memory_space<vmem>>[vector<16xi32>, vector<16xi32>], vector<16xf32>,
      tpu.vector_store_idx %arg9[%broadcast_in_dim3A_51, %add3A_71], %gather3A_422 : memref<8x64xf32, #tpu.memory_space<vmem>>[vector<16xi32>, vector<16xi32>], vector<16xf32>,
      %gather3A_423 = tpu.vector_load_idx %arg7[%broadcast_in_dim3A_53, %sub3A_35] : memref<8x3200xf32, #tpu.memory_space<vmem>>[vector<16xi32>, vector<16xi32>], vector<16xf32>,
      tpu.vector_store_idx %arg9[%broadcast_in_dim3A_53, %add3A_68], %gather3A_423 : memref<8x64xf32, #tpu.memory_space<vmem>>[vector<16xi32>, vector<16xi32>], vector<16xf32>,
      %gather3A_424 = tpu.vector_load_idx %arg7[%broadcast_in_dim3A_53, %sub3A_44] : memref<8x3200xf32, #tpu.memory_space<vmem>>[vector<16xi32>, vector<16xi32>], vector<16xf32>,
      tpu.vector_store_idx %arg9[%broadcast_in_dim3A_53, %add3A_71], %gather3A_424 : memref<8x64xf32, #tpu.memory_space<vmem>>[vector<16xi32>, vector<16xi32>], vector<16xf32>,
      %gather3A_425 = tpu.vector_load_idx %arg7[%broadcast_in_dim3A_55, %sub3A_35] : memref<8x3200xf32, #tpu.memory_space<vmem>>[vector<16xi32>, vector<16xi32>], vector<16xf32>,
      tpu.vector_store_idx %arg9[%broadcast_in_dim3A_55, %add3A_68], %gather3A_425 : memref<8x64xf32, #tpu.memory_space<vmem>>[vector<16xi32>, vector<16xi32>], vector<16xf32>,
      %gather3A_426 = tpu.vector_load_idx %arg7[%broadcast_in_dim3A_55, %sub3A_44] : memref<8x3200xf32, #tpu.memory_space<vmem>>[vector<16xi32>, vector<16xi32>], vector<16xf32>,
      tpu.vector_store_idx %arg9[%broadcast_in_dim3A_55, %add3A_71], %gather3A_426 : memref<8x64xf32, #tpu.memory_space<vmem>>[vector<16xi32>, vector<16xi32>], vector<16xf32>,
      %gather3A_427 = tpu.vector_load_idx %arg7[%broadcast_in_dim3A_57, %sub3A_35] : memref<8x3200xf32, #tpu.memory_space<vmem>>[vector<16xi32>, vector<16xi32>], vector<16xf32>,
      tpu.vector_store_idx %arg9[%broadcast_in_dim3A_57, %add3A_68], %gather3A_427 : memref<8x64xf32, #tpu.memory_space<vmem>>[vector<16xi32>, vector<16xi32>], vector<16xf32>,
      %gather3A_428 = tpu.vector_load_idx %arg7[%broadcast_in_dim3A_57, %sub3A_44] : memref<8x3200xf32, #tpu.memory_space<vmem>>[vector<16xi32>, vector<16xi32>], vector<16xf32>,
      tpu.vector_store_idx %arg9[%broadcast_in_dim3A_57, %add3A_71], %gather3A_428 : memref<8x64xf32, #tpu.memory_space<vmem>>[vector<16xi32>, vector<16xi32>], vector<16xf32>,
      %gather3A_429 = tpu.vector_load_idx %arg7[%broadcast_in_dim3A_59, %sub3A_35] : memref<8x3200xf32, #tpu.memory_space<vmem>>[vector<16xi32>, vector<16xi32>], vector<16xf32>,
      tpu.vector_store_idx %arg9[%broadcast_in_dim3A_59, %add3A_68], %gather3A_429 : memref<8x64xf32, #tpu.memory_space<vmem>>[vector<16xi32>, vector<16xi32>], vector<16xf32>,
      %gather3A_430 = tpu.vector_load_idx %arg7[%broadcast_in_dim3A_59, %sub3A_44] : memref<8x3200xf32, #tpu.memory_space<vmem>>[vector<16xi32>, vector<16xi32>], vector<16xf32>,
      tpu.vector_store_idx %arg9[%broadcast_in_dim3A_59, %add3A_71], %gather3A_430 : memref<8x64xf32, #tpu.memory_space<vmem>>[vector<16xi32>, vector<16xi32>], vector<16xf32>,
      %mul3A_431 = arith.constant 8 : i32
      %mul3A_432 = arith.muli %add3A_359, %mul3A_431 : i32
      %add3A_433 = arith.addi %multiple_of3A_9, %mul3A_432 : i32
      %multiple_of3A_434 = tpu.assume_multiple %add3A_433, 8 : i32
      %dma_start3A_435 = arith.constant 0 : i32
      %dma_start3A_436 = tpu.memref_slice %arg3[%multiple_of3A_434, %dma_start3A_435] : memref<16384x64xf32, #tpu.memory_space<hbm>> -> memref<8x64xf32, #tpu.memory_space<hbm>>
      %dma_start3A_437 = arith.constant 0 : i32
      %dma_start3A_438 = tpu.memref_slice %arg3[%multiple_of3A_434, %dma_start3A_437] : memref<16384x64xf32, #tpu.memory_space<hbm>> -> memref<8x64xf32, #tpu.memory_space<hbm>>
      tpu.enqueue_dma source(%arg9 : memref<8x64xf32, #tpu.memory_space<vmem>>) target(%dma_start3A_438 : memref<8x64xf32, #tpu.memory_space<hbm>>) target_semaphore(%arg15 : memref<!tpu.dma_semaphore, #tpu.memory_space<semaphore_mem>>)
    }
    %scan3A_95 = arith.constant 20 : i32
    %add3A_96 = arith.constant 304 : i32
    %add3A_97 = arith.addi %multiple_of3A_9, %add3A_96 : i32
    %multiple_of3A_98 = tpu.assume_multiple %add3A_97, 8 : i32
    %dma_wait3A = arith.constant 0 : i32
    %dma_wait3A_99 = tpu.memref_slice %arg3[%multiple_of3A_98, %dma_wait3A] : memref<16384x64xf32, #tpu.memory_space<hbm>> -> memref<8x64xf32, #tpu.memory_space<hbm>>
    %dma_wait3A_100 = arith.constant 0 : i32
    %dma_wait3A_101 = tpu.memref_slice %arg3[%multiple_of3A_98, %dma_wait3A_100] : memref<16384x64xf32, #tpu.memory_space<hbm>> -> memref<8x64xf32, #tpu.memory_space<hbm>>
    tpu.wait_dma2 semaphore(%arg14 : memref<!tpu.dma_semaphore, #tpu.memory_space<semaphore_mem>>) src(%arg8 : memref<8x64xf32, #tpu.memory_space<vmem>>) dst(%dma_wait3A_101 : memref<8x64xf32, #tpu.memory_space<hbm>>)
    %add3A_102 = arith.constant 312 : i32
    %add3A_103 = arith.addi %multiple_of3A_9, %add3A_102 : i32
    %multiple_of3A_104 = tpu.assume_multiple %add3A_103, 8 : i32
    %dma_wait3A_105 = arith.constant 0 : i32
    %dma_wait3A_106 = tpu.memref_slice %arg3[%multiple_of3A_104, %dma_wait3A_105] : memref<16384x64xf32, #tpu.memory_space<hbm>> -> memref<8x64xf32, #tpu.memory_space<hbm>>
    %dma_wait3A_107 = arith.constant 0 : i32
    %dma_wait3A_108 = tpu.memref_slice %arg3[%multiple_of3A_104, %dma_wait3A_107] : memref<16384x64xf32, #tpu.memory_space<hbm>> -> memref<8x64xf32, #tpu.memory_space<hbm>>
    tpu.wait_dma2 semaphore(%arg15 : memref<!tpu.dma_semaphore, #tpu.memory_space<semaphore_mem>>) src(%arg9 : memref<8x64xf32, #tpu.memory_space<vmem>>) dst(%dma_wait3A_108 : memref<8x64xf32, #tpu.memory_space<hbm>>)
    return
  }
}

module attributes {stable_mosaic.version = 14 : i64} {
  func.func @_tc_body(%arg0: i32, %arg1: memref<512x6400xf32, #tpu.memory_space<vmem>>, %arg2: memref<6400x64xf32, #tpu.memory_space<vmem>>, %arg3: memref<512x64xf32, #tpu.memory_space<vmem>>) attributes {dimension_semantics = [#tpu.dimension_semantics<arbitrary>], iteration_bounds = array<i64: 12>, scalar_prefetch = 0 : i64, scratch_operands = 0 : i64, tpu.core_type = #tpu.core_type<tc>, window_params = [{transform_indices = @transform_0, window_bounds = array<i64: 512, 6400>}, {pipeline_mode = #tpu.pipeline_mode<synchronous>, transform_indices = @transform_1, window_bounds = array<i64: 6400, 64>}, {transform_indices = @transform_2, window_bounds = array<i64: 512, 64>}]} {
    %get3A = arith.constant 0 : index
    %get3A_0 = arith.constant 0 : index
    %get3A_1 = vector.load %arg1[%get3A, %get3A_0] : memref<512x6400xf32, #tpu.memory_space<vmem>>, vector<512x6400xf32>
    %get3A_2 = arith.constant 0 : index
    %get3A_3 = arith.constant 0 : index
    %get3A_4 = vector.load %arg2[%get3A_2, %get3A_3] : memref<6400x64xf32, #tpu.memory_space<vmem>>, vector<6400x64xf32>
    %dot_general3A = arith.constant dense<0.000000e+00> : vector<512x64xf32>
    %dot_general3A_5 = tpu.matmul %get3A_1, %get3A_4, %dot_general3A {dimension_numbers = #tpu.dot_dimension_numbers<[1], [0], [0], [1], [0, 0, 1, 1], [], []>, precision = #tpu.contract_precision<fp32>, transpose_lhs_hint = false} : vector<512x6400xf32>, vector<6400x64xf32>, vector<512x64xf32> -> vector<512x64xf32>
    %swap3A = arith.constant 0 : index
    %swap3A_6 = arith.constant 0 : index
    %swap3A_7 = vector.load %arg3[%swap3A, %swap3A_6] : memref<512x64xf32, #tpu.memory_space<vmem>>, vector<512x64xf32>
    tpu.vector_store %arg3[%swap3A, %swap3A_6], %dot_general3A_5 {strides = array<i32>} : memref<512x64xf32, #tpu.memory_space<vmem>>, vector<512x64xf32>,
    return
  }
  func.func @transform_0(%arg0: i32) -> (i32, i32) {
    %c0_i32 = arith.constant 0 : i32
    %c0_i32_0 = arith.constant 0 : i32
    return %arg0, %c0_i32 : i32, i32
  }
  func.func @transform_1(%arg0: i32) -> (i32, i32) {
    %c0_i32 = arith.constant 0 : i32
    %c0_i32_0 = arith.constant 0 : i32
    %c0_i32_1 = arith.constant 0 : i32
    return %c0_i32, %c0_i32_0 : i32, i32
  }
  func.func @transform_2(%arg0: i32) -> (i32, i32) {
    %c0_i32 = arith.constant 0 : i32
    %c0_i32_0 = arith.constant 0 : i32
    return %arg0, %c0_i32 : i32, i32
  }
}

</mosaic_0001>

<sc_bundles>
// kernel: kernel.4.cloned.1.call-start
scs
__scs_entry_jumppad:
0x0: {  	(pc) =	sbr.rel $0x88, $3  }
0x1: {  	(tag) =	ssettag $0x0;
	lr =	simm.s32 $0x1  }
0x2: {  	[smem:$0x3FA0] =	sst lr;
	_ =	strace $0xD0000000  }
0x3: {  	_ = 	snop  }
0x4: {  	_ = 	snop  }
0x5: {  	_ = 	snop  }
0x6: {  	_ = 	snop  }
0x7: {  	_ = 	snop  }
__scs_overlays_trampoline_lowered:
0x8: {  	[smem:$0x3FAF] =	sst s0  }
0x9: {  	[smem:$0x3FB0] =	sst s1  }
0xa: {  	[smem:$0x3FB1] =	sst s2  }
0xb: {  	[smem:$0x3FB2] =	sst s3  }
0xc: {  	[smem:$0x3FB3] =	sst s4  }
0xd: {  	[smem:$0x3FB4] =	sst s5  }
0xe: {  	[smem:$0x3FB5] =	sst s6  }
0xf: {  	[smem:$0x3FB6] =	sst s7  }
0x10: {  	[smem:$0x3FB7] =	sst s8  }
0x11: {  	[smem:$0x3FB8] =	sst s9;
	s0 =	simm.s32 @!p0 $0x0  }
0x12: {  	s1 =	sld [smem:$0x3F9E];
	s0 =	simm.s32 @p0 $0x1  }
0x13: {  	[smem:$0x3FB9] =	sst s0;
	s0 =	simm.s32 @!p1 $0x0  }
0x14: {  	s2 =	sld [smem:$0x3F9D];
	s0 =	simm.s32 @p1 $0x1  }
0x15: {  	[smem:$0x3FBA] =	sst s0;
	s0 =	simm.s32 @!p2 $0x0  }
0x16: {  	s3 =	sld [smem:$0x3FDB];
	s0 =	simm.s32 @p2 $0x1  }
0x17: {  	s4 =	simm.s32 $0x1BF5;
	[smem:$0x3FBC] =	sst s0  }
0x18: {  	s0 =	sld [smem:$0x3F9F];
	_ =	swait.ge [sflag:s4], $0x0  }
0x19: {  	s7 =	sld [smem:$0x3FA0]  }
0x1a: {  	s8 =	sadd.s32 $0xFFFFE003, lr  }
0x1b: {  	s9 =	sadd.s32 $0xFFFFFEF7, lr;
	s5 =	simm.s32 $0xFFFFFFFF;
	p2 =	slt.u32 s8, $0xFFFFF086  }
0x1c: {  	p1 =	slt.u32 s9, $0xF7A;
	s5 =	simm.s32 @!p2 $0x0  }
0x1d: {  	s5 =	simm.s32 @p1 $0x1;
	p0 =	seq.s32 s7, s2  }
0x1e: {  	s7 =	smul.u32 @!p0 $0xF7A, s2;
	p2 =	seq.s32 @!p0 s5, $0x0  }
0x1f: {  	s9 =	smul.u32 $0xF7A, s1;
	s8 =	simm.s32 @!p0 $0x1BF5;
	p2 =	por !p2, p0  }
0x20: {  	[sflag:s8] =	ssyncset.s32 @!p0 $0xFFFFF086;
	s6 =	sadd.s32 @!p0 s3, s7;
	s7 =	simm.s32 @!p0 $0x108  }
0x21: {  	s3 =	sadd.s32 s3, s9;
	s6 =	sadd.s32 @!p0 $0x88, s6;
	s7 =	simm.s32 @p2 $0x1082  }
0x22: {  	[simem:s7], [sflag:s8] =	dma.local @!p0 [hbm:s6], $0xF7A  }
0x23: {  	s9 =	sor.u32 $0xD0000000, s2;
	s6 =	simm.s32 $0x108;
	_ =	swait.ge @!p0 [sflag:s8], $0x0  }
0x24: {  	s3 =	sadd.s32 $0x88, s3;
	s6 =	simm.s32 @!p1 $0x1082;
	[sflag:s4] =	ssyncset.s32 $0xFFFFF086  }
0x25: {  	[simem:s6], [sflag:s4] =	dma.local [hbm:s3], $0xF7A  }
0x26: {  	[smem:$0x3FA0] =	sst s1;
	(tag) =	ssettag s2;
	_ =	strace s9  }
0x27: {  	s1 =	sld [smem:$0x3FB0]  }
0x28: {  	s2 =	sld [smem:$0x3FB1]  }
0x29: {  	s4 =	sld [smem:$0x3FB3]  }
0x2a: {  	p0 =	seq.s32 s5, $0x0;
	s5 =	sld [smem:$0x3FB4]  }
0x2b: {  	s6 =	sld [smem:$0x3FB5]  }
0x2c: {  	s7 =	sld [smem:$0x3FB6]  }
0x2d: {  	s3 =	simm.s32 $0x108;
	s8 =	sld [smem:$0x3FB7]  }
0x2e: {  	s3 =	simm.s32 @!p0 $0x1082;
	s9 =	sld [smem:$0x3FB8]  }
0x2f: {  	lr =	sadd.s32 s0, s3;
	s0 =	sld [smem:$0x3FAF]  }
0x30: {  	s3 =	sld [smem:$0x3FB2]  }
0x31: {  	[smem:$0x3FBB] =	sst s10  }
0x32: {  	s10 =	sld [smem:$0x3FB9];
	_ =	sdelay $0x3  }
0x33: {  	p0 =	seq.s32 s10, $0x1;
	s10 =	sld [smem:$0x3FBB];
	_ =	sdelay $0x3  }
0x34: {  	[smem:$0x3FBB] =	sst s10  }
0x35: {  	s10 =	sld [smem:$0x3FBA];
	_ =	sdelay $0x3  }
0x36: {  	p1 =	seq.s32 s10, $0x1;
	s10 =	sld [smem:$0x3FBB];
	_ =	sdelay $0x3  }
0x37: {  	[smem:$0x3FBB] =	sst s10  }
0x38: {  	s10 =	sld [smem:$0x3FBC]  }
0x39: {  	_ = 	snop;
	(pc) =	sbr.ind lr, $3  }
0x3a: {  	_ = 	snop  }
0x3b: {  	_ = 	snop  }
0x3c: {  	p2 =	seq.s32 s10, $0x1;
	s10 =	sld [smem:$0x3FBB]  }
0x3d: {  	_ =	shalt  }
0x3e: {  	_ =	shalt  }
0x3f: {  	_ =	shalt  }
0x40: {  	_ =	shalt  }
0x41: {  	_ =	shalt  }
0x42: {  	_ =	shalt  }
0x43: {  	_ =	shalt  }
0x44: {  	_ =	shalt  }
0x45: {  	_ =	shalt  }
0x46: {  	_ =	shalt  }
0x47: {  	_ =	shalt  }
0x48: {  	_ =	shalt  }
0x49: {  	_ =	shalt  }
0x4a: {  	_ =	shalt  }
0x4b: {  	_ =	shalt  }
0x4c: {  	_ =	shalt  }
0x4d: {  	_ =	shalt  }
0x4e: {  	_ =	shalt  }
0x4f: {  	_ =	shalt  }
0x50: {  	_ =	shalt  }
0x51: {  	_ =	shalt  }
0x52: {  	_ =	shalt  }
0x53: {  	_ =	shalt  }
0x54: {  	_ =	shalt  }
0x55: {  	_ =	shalt  }
0x56: {  	_ =	shalt  }
0x57: {  	_ =	shalt  }
0x58: {  	_ =	shalt  }
0x59: {  	_ =	shalt  }
0x5a: {  	_ =	shalt  }
0x5b: {  	_ =	shalt  }
0x5c: {  	_ =	shalt  }
0x5d: {  	_ =	shalt  }
0x5e: {  	_ =	shalt  }
0x5f: {  	_ =	shalt  }
0x60: {  	_ =	shalt  }
0x61: {  	_ =	shalt  }
0x62: {  	_ =	shalt  }
0x63: {  	_ =	shalt  }
0x64: {  	_ =	shalt  }
0x65: {  	_ =	shalt  }
0x66: {  	_ =	shalt  }
0x67: {  	_ =	shalt  }
0x68: {  	_ =	shalt  }
0x69: {  	_ =	shalt  }
0x6a: {  	_ =	shalt  }
0x6b: {  	_ =	shalt  }
0x6c: {  	_ =	shalt  }
0x6d: {  	_ =	shalt  }
0x6e: {  	_ =	shalt  }
0x6f: {  	_ =	shalt  }
0x70: {  	_ =	shalt  }
0x71: {  	_ =	shalt  }
0x72: {  	_ =	shalt  }
0x73: {  	_ =	shalt  }
0x74: {  	_ =	shalt  }
0x75: {  	_ =	shalt  }
0x76: {  	_ =	shalt  }
0x77: {  	_ =	shalt  }
0x78: {  	_ =	shalt  }
0x79: {  	_ =	shalt  }
0x7a: {  	_ =	shalt  }
0x7b: {  	_ =	shalt  }
0x7c: {  	_ =	shalt  }
0x7d: {  	_ =	shalt  }
0x7e: {  	_ =	shalt  }
0x7f: {  	_ =	shalt  }
0x80: {  	_ =	shalt  }
0x81: {  	_ =	shalt  }
0x82: {  	_ =	shalt  }
0x83: {  	_ =	shalt  }
0x84: {  	_ =	shalt  }
0x85: {  	_ =	shalt  }
0x86: {  	_ =	shalt  }
0x87: {  	_ =	shalt  }
.Lfunc_end0:
.L_simem_size_0:
called_computation_lowered:
.L_overlay_start_0:
0x88: {  	s2 =	sld [smem:$0x3FD9]  }
0x89: {  	s3 =	sld [smem:$0x3FFE];
	_ =	sdelay $0x1  }
0x8a: {  	s1 =	srdreg.scid  }
0x8b: {  	s0 =	sand.u32 $0x1, s1  }
0x8c: {  	s17 =	sshll.u32 s0, $0xA;
	s2 =	sadd.s32 s3, s2  }
0x8d: {  	s2 =	sadd.s32 s2, s17  }
0x8e: {  	[smem:$0x3FC7] =	sst s2  }
0x8f: {  	_ = 	snop  }
0x90: {  	s2 =	sld [smem:$0x3FC9];
	(tm) =	ssettm $0x1  }
0x91: {  	s18 =	sld [smem:$0x3FFB];
	_ =	sdelay $0x3  }
0x92: {  	_ =	strace s18  }
0x93: {  	s3 =	sld [smem:$0x3FFC];
	_ =	sdelay $0x3  }
0x94: {  	_ =	strace s3  }
0x95: {  	s3 =	sld [smem:$0x3FFD];
	_ =	sdelay $0x3  }
0x96: {  	_ =	strace s3  }
0x97: {  	_ =	strace $0x8FFFFFFF  }
0x98: {  	s19 =	sld [smem:$0x3FDB];
	_ =	sdelay $0x1  }
0x99: {  	s4 =	simm.s32 $_scs_section_size  }
0x9a: {  	s5 =	simm.s32 $_size__tile_overlayer_lowered;
	s6 =	simm.s32 $_tile_overlayer_lowered  }
0x9b: {  	s22 =	simm.s32 $0x1BFF;
	s21 =	sshll.u32 s6, $0x1;
	s3 =	sadd.s32 s4, s19  }
0x9c: {  	s7 =	simm.s32 $0x0;
	s20 =	sshll.u32 s5, $0x1;
	s5 =	sadd.s32 s21, s3  }
0x9d: {  	[timem:s7], [sflag:s22] =	dma.local [hbm:s5], s20  }
0x9e: {  	_ =	swait.ge [sflag:s22], s20  }
0x9f: {  	s4 =	ssub.s32 $0x0, s20;
	[sflag:s22] =	ssyncset.done $0x0  }
0xa0: {  	[sflag:s22] =	ssyncadd.s32 s4;
	_ =	sdelay $0x1  }
0xa1: {  	s23 =	simm.s32 $0x1B8B  }
0xa2: {  	_ =	swait.ge [sflag:s23], $0x1  }
0xa3: {  	[sflag:s23] =	ssyncset.done $0x0  }
0xa4: {  	s25 =	simm.s32 $0x1B8E;
	s24 =	sld [smem:$0x3FFE];
	[sflag:s23] =	ssyncadd.s32 $0xFFFFFFFF  }
0xa5: {  	s26 =	simm.s32 $execute0_lowered;
	[smem:$0x3FD2] =	sst s25  }
0xa6: {  	s5 =	sshll.u32 s26, $0x1;
	_ =	strace $0x80000046;
	[dreg:$0x1] =	wrdreg $0xFFFFFFFF  }
0xa7: {  	s28 =	simm.s32 $_size_execute0_lowered;
	s3 =	sadd.s32 s3, s5;
	[dreg:$0x0] =	wrdreg $0x0  }
0xa8: {  	s5 =	sshll.u32 s28, $0x1;
	[dreg:$0x2] =	wrdreg s3  }
0xa9: {  	[dreg:$0x3] =	wrdreg s5  }
0xaa: {  	[dreg:$0x4] =	wrdreg $0xC0  }
0xab: {  	_ =	task [dreg:s7], $0x5FFFF  }
0xac: {  	[dreg:$0x1] =	wrdreg $0xFFFFFFFF  }
0xad: {  	[dreg:$0x0] =	wrdreg $0x60  }
0xae: {  	[dreg:$0x2] =	wrdreg s2  }
0xaf: {  	[dreg:$0x3] =	wrdreg s24  }
0xb0: {  	[dreg:$0x4] =	wrdreg $0x9  }
0xb1: {  	_ =	task.clear_ibuf [dreg:s7], $0x5FFFF;
	_ =	strace $0x90000046  }
0xb2: {  	s29 =	simm.s32 $0x9;
	_ =	strace $0x80000048  }
0xb3: {  	_ =	swait.ge [sflag:s29], $0x1  }
0xb4: {  	[sflag:s29] =	ssyncadd.s32 $0xFFFFFFFF  }
0xb5: {  	_ =	strace $0x90000048  }
0xb6: {  	_ =	sfence  }
0xb7: {  	s30 =	sld [smem:$0x0];
	_ =	sdelay $0x2  }
0xb8: {  	s31 =	sshll.u32 s1, $0xD;
	s1 =	sshrl.u32 s1, $0x2  }
0xb9: {  	s3 =	sand.u32 $0x4000, s31;
	s1 =	sadd.s32 s1, s30  }
0xba: {  	s0 =	sor.u32 s3, s0;
	s1 =	sshll.u32 s1, $0x11  }
0xbb: {  	s0 =	sor.u32 s1, s0  }
0xbc: {  	s0 =	sadd.s32 $0x8F2B, s0  }
0xbd: {  	[sflag:s0] =	ssyncadd.remote.s32 $0x1  }
0xbe: {  	_ =	sfence.sel $0xFFFF  }
0xbf: {  	[dreg:$0x0] =	wrdreg $0xFFFFFFFF;
	(pc) =	sbr.abs _section_cstart, $3  }
0xc0: {  	[dreg:$0x1] =	wrdreg $0xFFFFFFFF  }
0xc1: {  	_ =	task.clear_ibuf [dreg:s7], $0x2FFFF;
	_ =	strace $0x9FFFFFFF  }
0xc2: {  	(tm) =	ssettm $0x7FFFFFFF  }
0xc3: {  	_ =	shalt  }
tec
execute0_lowered:
.L_overlay_start_1:
0x0: {  	(tag) =	ssettag $0x1  }
0x1: {  	v0 =	vimm.s32 $0x6400  }
0x2: {  	vm0 =	vcmask $0x700;
	vm12 =	vcmask $0xB08;
	vm11 =	vcmask $0xF0C  }
0x3: {  	vm10 =	vcmask $0x1310;
	vm9 =	vcmask $0x1714;
	vm8 =	vcmask $0x1B18  }
0x4: {  	vm7 =	vcmask $0x1F1C;
	vm6 =	vcmask $0x2320;
	vm5 =	vcmask $0x2724  }
0x5: {  	vm4 =	vcmask $0x2B28;
	vm3 =	vcmask $0x2F2C;
	vm2 =	vcmask $0x3330  }
0x6: {  	vm1 =	vcmask $0x3734;
	v1 =	vimm.s32 $0x601C;
	vm14 =	vcmask $0x300  }
0x7: {  	vm13 =	vcmask $0x704;
	v3 =	vimm.s32 $0x2CDC;
	v4 =	vimm.s32 $0x609C  }
0x8: {  	v7 =	vimm.s32 $0x2D5C;
	v9 =	vimm.s32 $0x611C;
	v10 =	vimm.s32 $0x2DDC  }
0x9: {  	v13 =	vimm.s32 $0x619C;
	v15 =	vimm.s32 $0x2E5C;
	v16 =	vimm.s32 $0x621C  }
0xa: {  	v19 =	vimm.s32 $0x2EDC;
	v21 =	vimm.s32 $0x629C;
	v22 =	vimm.s32 $0x2F5C  }
0xb: {  	v25 =	vimm.s32 $0x631C;
	v27 =	vimm.s32 $0x2FDC;
	v28 =	vimm.s32 $0x639C  }
0xc: {  	v0 =	vunpack.c.0.s8.s32 v0;
	v2 =	vsel vm14, $0x3040, v1;
	v1 =	vlaneseq.u32  }
0xd: {  	v3 =	vsel vm14, $0x80, v3;
	v4 =	vsel vm14, $0x30C0, v4;
	v8 =	vsel vm14, $0x100, v7  }
0xe: {  	v9 =	vsel vm14, $0x3140, v9;
	v10 =	vsel vm14, $0x180, v10;
	v14 =	vsel vm14, $0x31C0, v13  }
0xf: {  	v15 =	vsel vm14, $0x200, v15;
	v16 =	vsel vm14, $0x3240, v16;
	v20 =	vsel vm14, $0x280, v19  }
0x10: {  	v21 =	vsel vm14, $0x32C0, v21;
	v22 =	vsel vm14, $0x300, v22;
	v26 =	vsel vm14, $0x3340, v25  }
0x11: {  	v27 =	vsel vm14, $0x380, v27;
	v28 =	vsel vm14, $0x33C0, v28;
	v2 =	vsel vm13, $0x3424, v2  }
0x12: {  	v3 =	vsel vm13, $0xE4, v3;
	v4 =	vsel vm13, $0x34A4, v4;
	v7 =	vor.u32 $0x90, v1  }
0x13: {  	v8 =	vsel vm13, $0x164, v8;
	v9 =	vsel vm13, $0x3524, v9;
	v10 =	vsel vm13, $0x1E4, v10  }
0x14: {  	v13 =	vor.u32 $0x180, v1;
	v14 =	vsel vm13, $0x35A4, v14;
	v15 =	vsel vm13, $0x264, v15  }
0x15: {  	v16 =	vsel vm13, $0x3624, v16;
	v19 =	vor.u32 $0x210, v1;
	v20 =	vsel vm13, $0x2E4, v20  }
0x16: {  	v21 =	vsel vm13, $0x36A4, v21;
	v22 =	vsel vm13, $0x364, v22;
	v25 =	vor.u32 $0x300, v1  }
0x17: {  	v26 =	vsel vm13, $0x3724, v26;
	v27 =	vsel vm13, $0x3E4, v27;
	v28 =	vsel vm13, $0x37A4, v28  }
0x18: {  	v31 =	vor.u32 $0x390, v1;
	v32 =	vor.u32 $0x20, v1;
	v33 =	vor.u32 $0x30, v1  }
0x19: {  	v34 =	vor.u32 $0xA0, v1;
	v35 =	vor.u32 $0xB0, v1;
	v36 =	vor.u32 $0x120, v1  }
0x1a: {  	v37 =	vor.u32 $0x130, v1;
	v38 =	vor.u32 $0x1A0, v1;
	v39 =	vor.u32 $0x1B0, v1  }
0x1b: {  	v40 =	vor.u32 $0x220, v1;
	v41 =	vor.u32 $0x230, v1;
	v42 =	vor.u32 $0x2A0, v1  }
0x1c: {  	v43 =	vor.u32 $0x2B0, v1;
	v44 =	vor.u32 $0x320, v1;
	v45 =	vor.u32 $0x330, v1  }
0x1d: {  	v46 =	vor.u32 $0x3A0, v1;
	v47 =	vor.u32 $0x3B0, v1;
	v0 =	vnsel vm0, $0x2C5C, v0  }
0x1e: {  	vm0 =	vcmask $0x3B38;
	v2 =	vsel vm12, $0x3808, v2;
	v3 =	vsel vm12, $0x4C8, v3  }
0x1f: {  	v4 =	vsel vm12, $0x3888, v4;
	v8 =	vsel vm12, $0x548, v8;
	v9 =	vsel vm12, $0x3908, v9  }
0x20: {  	v10 =	vsel vm12, $0x5C8, v10;
	v14 =	vsel vm12, $0x3988, v14;
	v15 =	vsel vm12, $0x648, v15  }
0x21: {  	v16 =	vsel vm12, $0x3A08, v16;
	v20 =	vsel vm12, $0x6C8, v20;
	v21 =	vsel vm12, $0x3A88, v21  }
0x22: {  	v22 =	vsel vm12, $0x748, v22;
	v26 =	vsel vm12, $0x3B08, v26;
	v27 =	vsel vm12, $0x7C8, v27  }
0x23: {  	v28 =	vsel vm12, $0x3B88, v28;
	v0 =	vsel vm12, $0x448, v0;
	v2 =	vsel vm11, $0x386C, v2  }
0x24: {  	v3 =	vsel vm11, $0x8AC, v3;
	v4 =	vsel vm11, $0x38EC, v4;
	v8 =	vsel vm11, $0x92C, v8  }
0x25: {  	v9 =	vsel vm11, $0x396C, v9;
	v10 =	vsel vm11, $0x9AC, v10;
	v14 =	vsel vm11, $0x39EC, v14  }
0x26: {  	v15 =	vsel vm11, $0xA2C, v15;
	v16 =	vsel vm11, $0x3A6C, v16;
	v20 =	vsel vm11, $0xAAC, v20  }
0x27: {  	v21 =	vsel vm11, $0x3AEC, v21;
	v22 =	vsel vm11, $0xB2C, v22;
	v26 =	vsel vm11, $0x3B6C, v26  }
0x28: {  	v27 =	vsel vm11, $0xBAC, v27;
	v28 =	vsel vm11, $0x3BEC, v28;
	v0 =	vsel vm11, $0x82C, v0  }
0x29: {  	v2 =	vsel vm10, $0x3C50, v2;
	v3 =	vsel vm10, $0xC90, v3;
	v4 =	vsel vm10, $0x3CD0, v4  }
0x2a: {  	v8 =	vsel vm10, $0xD10, v8;
	v9 =	vsel vm10, $0x3D50, v9;
	v10 =	vsel vm10, $0xD90, v10  }
0x2b: {  	v14 =	vsel vm10, $0x3DD0, v14;
	v15 =	vsel vm10, $0xE10, v15;
	v16 =	vsel vm10, $0x3E50, v16  }
0x2c: {  	v20 =	vsel vm10, $0xE90, v20;
	v21 =	vsel vm10, $0x3ED0, v21;
	v22 =	vsel vm10, $0xF10, v22  }
0x2d: {  	v26 =	vsel vm10, $0x3F50, v26;
	v27 =	vsel vm10, $0xF90, v27;
	v28 =	vsel vm10, $0x3FD0, v28  }
0x2e: {  	v0 =	vsel vm10, $0xC10, v0;
	v2 =	vsel vm9, $0x4034, v2;
	v3 =	vsel vm9, $0xCF4, v3  }
0x2f: {  	v4 =	vsel vm9, $0x40B4, v4;
	v8 =	vsel vm9, $0xD74, v8;
	v9 =	vsel vm9, $0x4134, v9  }
0x30: {  	v10 =	vsel vm9, $0xDF4, v10;
	v14 =	vsel vm9, $0x41B4, v14;
	v15 =	vsel vm9, $0xE74, v15  }
0x31: {  	v16 =	vsel vm9, $0x4234, v16;
	v20 =	vsel vm9, $0xEF4, v20;
	v21 =	vsel vm9, $0x42B4, v21  }
0x32: {  	v22 =	vsel vm9, $0xF74, v22;
	v26 =	vsel vm9, $0x4334, v26;
	v27 =	vsel vm9, $0xFF4, v27  }
0x33: {  	v28 =	vsel vm9, $0x43B4, v28;
	v0 =	vsel vm9, $0xC74, v0;
	v2 =	vsel vm8, $0x4418, v2  }
0x34: {  	v3 =	vsel vm8, $0x10D8, v3;
	v4 =	vsel vm8, $0x4498, v4;
	v8 =	vsel vm8, $0x1158, v8  }
0x35: {  	v9 =	vsel vm8, $0x4518, v9;
	v10 =	vsel vm8, $0x11D8, v10;
	v14 =	vsel vm8, $0x4598, v14  }
0x36: {  	v15 =	vsel vm8, $0x1258, v15;
	v16 =	vsel vm8, $0x4618, v16;
	v20 =	vsel vm8, $0x12D8, v20  }
0x37: {  	v21 =	vsel vm8, $0x4698, v21;
	v22 =	vsel vm8, $0x1358, v22;
	v26 =	vsel vm8, $0x4718, v26  }
0x38: {  	v27 =	vsel vm8, $0x13D8, v27;
	v28 =	vsel vm8, $0x4798, v28;
	v0 =	vsel vm8, $0x1058, v0  }
0x39: {  	v2 =	vsel vm7, $0x447C, v2;
	v3 =	vsel vm7, $0x14BC, v3;
	v4 =	vsel vm7, $0x44FC, v4  }
0x3a: {  	v8 =	vsel vm7, $0x153C, v8;
	v9 =	vsel vm7, $0x457C, v9;
	v10 =	vsel vm7, $0x15BC, v10  }
0x3b: {  	v14 =	vsel vm7, $0x45FC, v14;
	v15 =	vsel vm7, $0x163C, v15;
	v16 =	vsel vm7, $0x467C, v16  }
0x3c: {  	v20 =	vsel vm7, $0x16BC, v20;
	v21 =	vsel vm7, $0x46FC, v21;
	v22 =	vsel vm7, $0x173C, v22  }
0x3d: {  	v26 =	vsel vm7, $0x477C, v26;
	v27 =	vsel vm7, $0x17BC, v27;
	v28 =	vsel vm7, $0x47FC, v28  }
0x3e: {  	v0 =	vsel vm7, $0x143C, v0;
	v2 =	vsel vm6, $0x4860, v2;
	v3 =	vsel vm6, $0x18A0, v3  }
0x3f: {  	v4 =	vsel vm6, $0x48E0, v4;
	v8 =	vsel vm6, $0x1920, v8;
	v9 =	vsel vm6, $0x4960, v9  }
0x40: {  	v10 =	vsel vm6, $0x19A0, v10;
	v14 =	vsel vm6, $0x49E0, v14;
	v15 =	vsel vm6, $0x1A20, v15  }
0x41: {  	v16 =	vsel vm6, $0x4A60, v16;
	v20 =	vsel vm6, $0x1AA0, v20;
	v21 =	vsel vm6, $0x4AE0, v21  }
0x42: {  	v22 =	vsel vm6, $0x1B20, v22;
	v26 =	vsel vm6, $0x4B60, v26;
	v27 =	vsel vm6, $0x1BA0, v27  }
0x43: {  	v28 =	vsel vm6, $0x4BE0, v28;
	v0 =	vsel vm6, $0x1820, v0;
	v2 =	vsel vm5, $0x4C44, v2  }
0x44: {  	v3 =	vsel vm5, $0x1C84, v3;
	v4 =	vsel vm5, $0x4CC4, v4;
	v8 =	vsel vm5, $0x1D04, v8  }
0x45: {  	v9 =	vsel vm5, $0x4D44, v9;
	v10 =	vsel vm5, $0x1D84, v10;
	v14 =	vsel vm5, $0x4DC4, v14  }
0x46: {  	v15 =	vsel vm5, $0x1E04, v15;
	v16 =	vsel vm5, $0x4E44, v16;
	v20 =	vsel vm5, $0x1E84, v20  }
0x47: {  	v21 =	vsel vm5, $0x4EC4, v21;
	v22 =	vsel vm5, $0x1F04, v22;
	v26 =	vsel vm5, $0x4F44, v26  }
0x48: {  	v27 =	vsel vm5, $0x1F84, v27;
	v28 =	vsel vm5, $0x4FC4, v28;
	v0 =	vsel vm5, $0x1C04, v0  }
0x49: {  	v2 =	vsel vm4, $0x5028, v2;
	v3 =	vsel vm4, $0x1CE8, v3;
	v4 =	vsel vm4, $0x50A8, v4  }
0x4a: {  	v8 =	vsel vm4, $0x1D68, v8;
	v9 =	vsel vm4, $0x5128, v9;
	v10 =	vsel vm4, $0x1DE8, v10  }
0x4b: {  	v14 =	vsel vm4, $0x51A8, v14;
	v15 =	vsel vm4, $0x1E68, v15;
	v16 =	vsel vm4, $0x5228, v16  }
0x4c: {  	v20 =	vsel vm4, $0x1EE8, v20;
	v21 =	vsel vm4, $0x52A8, v21;
	v22 =	vsel vm4, $0x1F68, v22  }
0x4d: {  	v26 =	vsel vm4, $0x5328, v26;
	v27 =	vsel vm4, $0x1FE8, v27;
	v28 =	vsel vm4, $0x53A8, v28  }
0x4e: {  	v0 =	vsel vm4, $0x1C68, v0;
	v2 =	vsel vm3, $0x540C, v2;
	v3 =	vsel vm3, $0x20CC, v3  }
0x4f: {  	v4 =	vsel vm3, $0x548C, v4;
	v8 =	vsel vm3, $0x214C, v8;
	v9 =	vsel vm3, $0x550C, v9  }
0x50: {  	v10 =	vsel vm3, $0x21CC, v10;
	v14 =	vsel vm3, $0x558C, v14;
	v15 =	vsel vm3, $0x224C, v15  }
0x51: {  	v16 =	vsel vm3, $0x560C, v16;
	v20 =	vsel vm3, $0x22CC, v20;
	v21 =	vsel vm3, $0x568C, v21  }
0x52: {  	v22 =	vsel vm3, $0x234C, v22;
	v26 =	vsel vm3, $0x570C, v26;
	v27 =	vsel vm3, $0x23CC, v27  }
0x53: {  	s0 =	stileid.u32;
	s10 =	rddreg [dreg:$0x0];
	v28 =	vsel vm3, $0x578C, v28;
	v0 =	vsel vm3, $0x204C, v0;
	v2 =	vsel vm2, $0x5470, v2  }
0x54: {  	s1 =	srdreg.scid;
	s3 =	rddreg [dreg:$0x1];
	s14 =	simm.s32 $0x1;
	v5 =	vsel vm2, $0x24B0, v3;
	v3 =	vor.u32 $0x10, v1;
	v6 =	vsel vm2, $0x54F0, v4  }
0x55: {  	s15 =	simm.s32 $0x19000;
	s16 =	simm.s32 $0x2;
	s17 =	simm.s32 $0x3;
	v8 =	vsel vm2, $0x2530, v8;
	v11 =	vsel vm2, $0x5570, v9;
	v9 =	vor.u32 $0x100, v1  }
0x56: {  	s18 =	simm.s32 $0x6;
	s19 =	simm.s32 $0x19400;
	s5 =	smul.u32 $0x2800, s0;
	v12 =	vsel vm2, $0x25B0, v10;
	v14 =	vsel vm2, $0x55F0, v14;
	v17 =	vsel vm2, $0x2630, v15  }
0x57: {  	s20 =	simm.s32 $0x4;
	s4 =	sand.u32 $0x1, s1;
	s8 =	smul.u32 $0x280, s0;
	v15 =	vor.u32 $0x190, v1;
	v18 =	vsel vm2, $0x5670, v16;
	v20 =	vsel vm2, $0x26B0, v20  }
0x58: {  	s21 =	simm.s32 $0x5;
	s25 =	sshll.u32 s0, $0x1;
	s11 =	smul.u32 $0x140, s4;
	v23 =	vsel vm2, $0x56F0, v21;
	v21 =	vor.u32 $0x280, v1;
	v24 =	vsel vm2, $0x2730, v22  }
0x59: {  	s22 =	simm.s32 $0x0;
	s2 =	sor.u32 s4, s25;
	s31 =	smul.u32 $0x1400, s4;
	v26 =	vsel vm2, $0x5770, v26;
	v29 =	vsel vm2, $0x27B0, v27;
	v27 =	vor.u32 $0x310, v1  }
0x5a: {  	s1 =	rddreg [dreg:$0x2];
	s7 =	ssub.s32 $0x2, s4;
	s6 =	smul.u32 $0x140, s2;
	v30 =	vsel vm2, $0x57F0, v28;
	v0 =	vsel vm2, $0x2430, v0;
	v2 =	vsel vm1, $0x5854, v2  }
0x5b: {  	s2 =	simm.s32 $0x0;
	s9 =	sshrl.u32 s7, $0x1;
	s12 =	sadd.s32 s5, s3;
	v5 =	vsel vm1, $0x2894, v5;
	v6 =	vsel vm1, $0x58D4, v6;
	v8 =	vsel vm1, $0x2914, v8  }
0x5c: {  	[smem:$0x7FF] =	sst s2;
	s7 =	ssub.s32 s7, s9;
	s29 =	sadd.s32 s11, s8;
	v11 =	vsel vm1, $0x5954, v11;
	v12 =	vsel vm1, $0x2994, v12;
	v14 =	vsel vm1, $0x59D4, v14  }
0x5d: {  	s11 =	sadd.s32 s31, s12;
	s26 =	sshrl.u32 s6, $0x3;
	s28 =	sadd.s32 $0x1808, s6;
	v17 =	vsel vm1, $0x2A14, v17;
	v18 =	vsel vm1, $0x5A54, v18;
	v20 =	vsel vm1, $0x2A94, v20  }
0x5e: {  	s8 =	sadd.s32 $0x1818, s29;
	s3 =	smul.u32 $0xC800, s26;
	s5 =	sshrl.u32 s28, $0x3;
	v23 =	vsel vm1, $0x5AD4, v23;
	v24 =	vsel vm1, $0x2B14, v24;
	v26 =	vsel vm1, $0x5B54, v26  }
0x5f: {  	s30 =	sadd.s32 $0x1810, s29;
	s8 =	sshrl.u32 s8, $0x3;
	s5 =	smul.u32 $0x1900, s5;
	v29 =	vsel vm1, $0x2B94, v29;
	v30 =	vsel vm1, $0x5BD4, v30;
	v0 =	vsel vm1, $0x2814, v0  }
0x60: {  	_ =	strace $0x80000047;
	s9 =	sshrl.u32 s30, $0x3;
	s8 =	smul.u32 $0x1900, s8;
	v2 =	vsel vm0, $0x5C38, v2;
	v4 =	vsel vm0, $0x28F8, v5;
	v5 =	vor.u32 $0x80, v1  }
0x61: {  	s12 =	simm.s32 $0xC800;
	s6 =	sadd.s32 $0x1800, s29;
	s9 =	smul.u32 $0x1900, s9;
	v6 =	vsel vm0, $0x5CB8, v6;
	v8 =	vsel vm0, $0x2978, v8;
	v10 =	vsel vm0, $0x5D38, v11  }
.Ltmp0:
0x62: {  	s6 =	sshrl.u32 s6, $0x3;
	s3 =	sadd.s32 $0x2580000, s3;
	v11 =	vor.u32 $0x110, v1;
	v12 =	vsel vm0, $0x29F8, v12;
	v14 =	vsel vm0, $0x5DB8, v14;
	(pc) =	sbr.rel .LBB2_1-.Ltmp0, $4  }
0x63: {  	s13 =	smul.u32 $0x1900, s6;
	s6 =	smax.u32 s7, $0x1;
	s3 =	sshrl.u32 s3, $0x3;
	v16 =	vsel vm0, $0x2A78, v17;
	v17 =	vor.u32 $0x200, v1;
	v18 =	vsel vm0, $0x5E38, v18  }
0x64: {  	s5 =	sadd.s32 s10, s5;
	s7 =	sadd.s32 s8, s10;
	s8 =	sadd.s32 s9, s10;
	v20 =	vsel vm0, $0x2AF8, v20;
	v22 =	vsel vm0, $0x5EB8, v23;
	v23 =	vor.u32 $0x290, v1  }
0x65: {  	s9 =	sadd.s32 $0x18680, s11;
	s11 =	simm.s32 $0x6400;
	s3 =	sadd.s32 s10, s3;
	v24 =	vsel vm0, $0x2B78, v24;
	v26 =	vsel vm0, $0x5F38, v26;
	v28 =	vsel vm0, $0x2BF8, v29  }
0x66: {  	s10 =	sadd.s32 s13, s10;
	s13 =	simm.s32 $0x12C00;
	s4 =	sadd.s32 $0xC80, s3;
	v29 =	vor.u32 $0x380, v1;
	v30 =	vsel vm0, $0x5FB8, v30;
	v0 =	vsel vm0, $0x2878, v0  }
.LBB2_7:
0x67: {  	s22 =	sadd.s32 $0x1, s22  }
0x68: {  	_ =	swait.ge [sflag:s21], $0x400;
	p0 =	sne.s32 s22, s6  }
.Ltmp1:
0x69: {  	[sflag:s21] =	ssyncset.done $0x0;
	(pc) =	sbr.rel @!p0 .LBB2_8-.Ltmp1, $4  }
0x6a: {  	[sflag:s21] =	ssyncadd.s32 $0xFFFFFC00  }
0x6b: {  	_ =	swait.ge [sflag:s18], $0x400  }
0x6c: {  	[sflag:s18] =	ssyncset.done $0x0  }
0x6d: {  	[sflag:s18] =	ssyncadd.s32 $0xFFFFFC00  }
.LBB2_1:
0x6e: {  	[tilespmem:s2], [sflag:$0x1] =	stream.linear.gather [hbm4b:s3+s2], $0x6400, $0x38;
	[tilespmem:$0x19800] =	vst v63  }
.Ltmp2:
0x6f: {  	_ = 	snop;
	(pc) =	sbr.rel .LBB2_2-.Ltmp2, $4  }
0x70: {  	_ = 	snop  }
0x71: {  	[tilespmem:s11], [sflag:$0x2] =	stream.linear.gather [hbm4b:s4+s2], $0x6400, $0x38;
	[tilespmem:$0x19800] =	vst v63  }
0x72: {  	s23 =	smov.u32 s9;
	s24 =	simm.s32 $0x0  }
0x73: {  	[tilespmem:s12], [sflag:$0x3] =	stream.linear.gather [hbm4b:s5+s2], $0x6400, $0x38;
	[tilespmem:$0x19800] =	vst v63  }
.LBB2_3:
0x74: {  	_ =	swait.ge [sflag:s17], $0x6400  }
0x75: {  	[sflag:s17] =	ssyncset.done $0x0  }
0x76: {  	[sflag:s17] =	ssyncadd.s32 $0xFFFF9C00  }
.LBB2_5:
0x77: {  	_ =	swait.ge [sflag:s18], $0x400  }
0x78: {  	[sflag:s18] =	ssyncset.done $0x0  }
0x79: {  	[sflag:s18] =	ssyncadd.s32 $0xFFFFFC00  }
.LBB2_6:
0x7a: {  	_ =	sdelay $0x3  }
0x7b: {  	v48 =	vld.idx.msk [tilespmem:v0+s12+$0x0], $0xffff;
	_ =	sdelay $0x4  }
0x7c: {  	[tilespmem:v1+s19+$0x0] =	vst.idx.msk $0xffff, v48  }
0x7d: {  	v48 =	vld.idx.msk [tilespmem:v2+s12+$0x0], $0xffff;
	_ =	sdelay $0x4  }
0x7e: {  	[tilespmem:v3+s19+$0x0] =	vst.idx.msk $0xffff, v48  }
0x7f: {  	v48 =	vld.idx.msk [tilespmem:v4+s12+$0x0], $0xffff;
	_ =	sdelay $0x4  }
0x80: {  	[tilespmem:v5+s19+$0x0] =	vst.idx.msk $0xffff, v48  }
0x81: {  	v48 =	vld.idx.msk [tilespmem:v6+s12+$0x0], $0xffff;
	_ =	sdelay $0x4  }
0x82: {  	[tilespmem:v7+s19+$0x0] =	vst.idx.msk $0xffff, v48  }
0x83: {  	v48 =	vld.idx.msk [tilespmem:v8+s12+$0x0], $0xffff;
	_ =	sdelay $0x4  }
0x84: {  	[tilespmem:v9+s19+$0x0] =	vst.idx.msk $0xffff, v48  }
0x85: {  	v48 =	vld.idx.msk [tilespmem:v10+s12+$0x0], $0xffff;
	_ =	sdelay $0x4  }
0x86: {  	[tilespmem:v11+s19+$0x0] =	vst.idx.msk $0xffff, v48  }
0x87: {  	v48 =	vld.idx.msk [tilespmem:v12+s12+$0x0], $0xffff;
	_ =	sdelay $0x4  }
0x88: {  	[tilespmem:v13+s19+$0x0] =	vst.idx.msk $0xffff, v48  }
0x89: {  	v48 =	vld.idx.msk [tilespmem:v14+s12+$0x0], $0xffff;
	_ =	sdelay $0x4  }
0x8a: {  	[tilespmem:v15+s19+$0x0] =	vst.idx.msk $0xffff, v48  }
0x8b: {  	v48 =	vld.idx.msk [tilespmem:v16+s12+$0x0], $0xffff;
	_ =	sdelay $0x4  }
0x8c: {  	[tilespmem:v17+s19+$0x0] =	vst.idx.msk $0xffff, v48  }
0x8d: {  	v48 =	vld.idx.msk [tilespmem:v18+s12+$0x0], $0xffff;
	_ =	sdelay $0x4  }
0x8e: {  	[tilespmem:v19+s19+$0x0] =	vst.idx.msk $0xffff, v48  }
0x8f: {  	v48 =	vld.idx.msk [tilespmem:v20+s12+$0x0], $0xffff;
	_ =	sdelay $0x4  }
0x90: {  	[tilespmem:v21+s19+$0x0] =	vst.idx.msk $0xffff, v48  }
0x91: {  	v48 =	vld.idx.msk [tilespmem:v22+s12+$0x0], $0xffff;
	_ =	sdelay $0x4  }
0x92: {  	[tilespmem:v23+s19+$0x0] =	vst.idx.msk $0xffff, v48  }
0x93: {  	v48 =	vld.idx.msk [tilespmem:v24+s12+$0x0], $0xffff;
	_ =	sdelay $0x4  }
0x94: {  	[tilespmem:v25+s19+$0x0] =	vst.idx.msk $0xffff, v48  }
0x95: {  	v48 =	vld.idx.msk [tilespmem:v26+s12+$0x0], $0xffff;
	_ =	sdelay $0x4  }
0x96: {  	[tilespmem:v27+s19+$0x0] =	vst.idx.msk $0xffff, v48  }
0x97: {  	v48 =	vld.idx.msk [tilespmem:v28+s12+$0x0], $0xffff;
	_ =	sdelay $0x4  }
0x98: {  	[tilespmem:v29+s19+$0x0] =	vst.idx.msk $0xffff, v48  }
0x99: {  	v48 =	vld.idx.msk [tilespmem:v30+s12+$0x0], $0xffff;
	_ =	sdelay $0x4  }
0x9a: {  	s25 =	sadd.s32 @!p0 s24, s7;
	s26 =	simm.s32 @!p0 $0x0;
	s28 =	simm.s32 @!p0 $0xC800;
	[tilespmem:v31+s19+$0x0] =	vst.idx.msk $0xffff, v48  }
0x9b: {  	[tilespmem:s28], [sflag:$0x3] =	stream.linear.gather @!p0 [hbm4b:s25+s26], $0x6400, $0x38;
	[tilespmem:$0x19800] =	vst v63  }
0x9c: {  	_ =	swait.ge [sflag:s20], $0x6400  }
0x9d: {  	[sflag:s20] =	ssyncset.done $0x0  }
0x9e: {  	[sflag:s20] =	ssyncadd.s32 $0xFFFF9C00  }
0x9f: {  	v63 =	vld.idx.msk [tilespmem:v0+s13+$0x0], $0xffff;
	_ =	sdelay $0x4  }
0xa0: {  	[tilespmem:v32+s19+$0x0] =	vst.idx.msk $0xffff, v63  }
0xa1: {  	v48 =	vld.idx.msk [tilespmem:v2+s13+$0x0], $0xffff;
	_ =	sdelay $0x4  }
0xa2: {  	[tilespmem:v33+s19+$0x0] =	vst.idx.msk $0xffff, v48  }
0xa3: {  	v48 =	vld.idx.msk [tilespmem:v4+s13+$0x0], $0xffff;
	_ =	sdelay $0x4  }
0xa4: {  	[tilespmem:v34+s19+$0x0] =	vst.idx.msk $0xffff, v48  }
0xa5: {  	v48 =	vld.idx.msk [tilespmem:v6+s13+$0x0], $0xffff;
	_ =	sdelay $0x4  }
0xa6: {  	[tilespmem:v35+s19+$0x0] =	vst.idx.msk $0xffff, v48  }
0xa7: {  	v48 =	vld.idx.msk [tilespmem:v8+s13+$0x0], $0xffff;
	_ =	sdelay $0x4  }
0xa8: {  	[tilespmem:v36+s19+$0x0] =	vst.idx.msk $0xffff, v48  }
0xa9: {  	v48 =	vld.idx.msk [tilespmem:v10+s13+$0x0], $0xffff;
	_ =	sdelay $0x4  }
0xaa: {  	[tilespmem:v37+s19+$0x0] =	vst.idx.msk $0xffff, v48  }
0xab: {  	v48 =	vld.idx.msk [tilespmem:v12+s13+$0x0], $0xffff;
	_ =	sdelay $0x4  }
0xac: {  	[tilespmem:v38+s19+$0x0] =	vst.idx.msk $0xffff, v48  }
0xad: {  	v48 =	vld.idx.msk [tilespmem:v14+s13+$0x0], $0xffff;
	_ =	sdelay $0x4  }
0xae: {  	[tilespmem:v39+s19+$0x0] =	vst.idx.msk $0xffff, v48  }
0xaf: {  	v48 =	vld.idx.msk [tilespmem:v16+s13+$0x0], $0xffff;
	_ =	sdelay $0x4  }
0xb0: {  	[tilespmem:v40+s19+$0x0] =	vst.idx.msk $0xffff, v48  }
0xb1: {  	v48 =	vld.idx.msk [tilespmem:v18+s13+$0x0], $0xffff;
	_ =	sdelay $0x4  }
0xb2: {  	[tilespmem:v41+s19+$0x0] =	vst.idx.msk $0xffff, v48  }
0xb3: {  	v48 =	vld.idx.msk [tilespmem:v20+s13+$0x0], $0xffff;
	_ =	sdelay $0x4  }
0xb4: {  	[tilespmem:v42+s19+$0x0] =	vst.idx.msk $0xffff, v48  }
0xb5: {  	v48 =	vld.idx.msk [tilespmem:v22+s13+$0x0], $0xffff;
	_ =	sdelay $0x4  }
0xb6: {  	[tilespmem:v43+s19+$0x0] =	vst.idx.msk $0xffff, v48  }
0xb7: {  	v48 =	vld.idx.msk [tilespmem:v24+s13+$0x0], $0xffff;
	_ =	sdelay $0x4  }
0xb8: {  	[tilespmem:v44+s19+$0x0] =	vst.idx.msk $0xffff, v48  }
0xb9: {  	v48 =	vld.idx.msk [tilespmem:v26+s13+$0x0], $0xffff;
	_ =	sdelay $0x4  }
0xba: {  	[tilespmem:v45+s19+$0x0] =	vst.idx.msk $0xffff, v48  }
0xbb: {  	v48 =	vld.idx.msk [tilespmem:v28+s13+$0x0], $0xffff;
	_ =	sdelay $0x4  }
0xbc: {  	[tilespmem:v46+s19+$0x0] =	vst.idx.msk $0xffff, v48  }
0xbd: {  	v48 =	vld.idx.msk [tilespmem:v30+s13+$0x0], $0xffff  }
0xbe: {  	s24 =	sadd.s32 $0x3200, s24  }
0xbf: {  	p0 =	sne.s32 s24, $0x3E800  }
.Ltmp3:
0xc0: {  	_ = 	snop;
	(pc) =	sbr.rel @!p0 .LBB2_7-.Ltmp3, $4  }
0xc1: {  	_ = 	snop  }
0xc2: {  	[tilespmem:v47+s19+$0x0] =	vst.idx.msk $0xffff, v48  }
0xc3: {  	[hbm4b:s23+s2] =	stream.linear.scatter [tilespmem:s19], [sflag:$0x6], $0x400, $0x38;
	[tilespmem:$0x19800] =	vst v63  }
0xc4: {  	s23 =	sadd.s32 $0x100, s23  }
.LBB2_2:
0xc5: {  	s25 =	sadd.s32 s24, s10  }
0xc6: {  	s26 =	sadd.s32 $0x2580, s25  }
0xc7: {  	[tilespmem:s13], [sflag:$0x4] =	stream.linear.gather [hbm4b:s26+s2], $0x6400, $0x38;
	[tilespmem:$0x19800] =	vst v63  }
0xc8: {  	_ =	swait.ge [sflag:s14], $0x6400  }
0xc9: {  	p1 =	seq.s32 s24, $0x0;
	[sflag:s14] =	ssyncset.done $0x0  }
0xca: {  	s26 =	simm.s32 @!p1 $0x5;
	[sflag:s14] =	ssyncadd.s32 $0xFFFF9C00  }
0xcb: {  	_ =	swait.ge @!p1 [sflag:s26], $0x400  }
0xcc: {  	[sflag:s26] =	ssyncset.done @!p1 $0x0  }
0xcd: {  	[sflag:s26] =	ssyncadd.s32 @!p1 $0xFFFFFC00  }
0xce: {  	v48 =	vld.idx.msk [tilespmem:v0+s2+$0x0], $0xffff;
	_ =	sdelay $0x4  }
0xcf: {  	[tilespmem:v1+s15+$0x0] =	vst.idx.msk $0xffff, v48  }
0xd0: {  	v48 =	vld.idx.msk [tilespmem:v2+s2+$0x0], $0xffff;
	_ =	sdelay $0x4  }
0xd1: {  	[tilespmem:v3+s15+$0x0] =	vst.idx.msk $0xffff, v48  }
0xd2: {  	v48 =	vld.idx.msk [tilespmem:v4+s2+$0x0], $0xffff;
	_ =	sdelay $0x4  }
0xd3: {  	[tilespmem:v5+s15+$0x0] =	vst.idx.msk $0xffff, v48  }
0xd4: {  	v48 =	vld.idx.msk [tilespmem:v6+s2+$0x0], $0xffff;
	_ =	sdelay $0x4  }
0xd5: {  	[tilespmem:v7+s15+$0x0] =	vst.idx.msk $0xffff, v48  }
0xd6: {  	v48 =	vld.idx.msk [tilespmem:v8+s2+$0x0], $0xffff;
	_ =	sdelay $0x4  }
0xd7: {  	[tilespmem:v9+s15+$0x0] =	vst.idx.msk $0xffff, v48  }
0xd8: {  	v48 =	vld.idx.msk [tilespmem:v10+s2+$0x0], $0xffff;
	_ =	sdelay $0x4  }
0xd9: {  	[tilespmem:v11+s15+$0x0] =	vst.idx.msk $0xffff, v48  }
0xda: {  	v48 =	vld.idx.msk [tilespmem:v12+s2+$0x0], $0xffff;
	_ =	sdelay $0x4  }
0xdb: {  	[tilespmem:v13+s15+$0x0] =	vst.idx.msk $0xffff, v48  }
0xdc: {  	v48 =	vld.idx.msk [tilespmem:v14+s2+$0x0], $0xffff;
	_ =	sdelay $0x4  }
0xdd: {  	[tilespmem:v15+s15+$0x0] =	vst.idx.msk $0xffff, v48  }
0xde: {  	v48 =	vld.idx.msk [tilespmem:v16+s2+$0x0], $0xffff;
	_ =	sdelay $0x4  }
0xdf: {  	[tilespmem:v17+s15+$0x0] =	vst.idx.msk $0xffff, v48  }
0xe0: {  	v48 =	vld.idx.msk [tilespmem:v18+s2+$0x0], $0xffff;
	_ =	sdelay $0x4  }
0xe1: {  	[tilespmem:v19+s15+$0x0] =	vst.idx.msk $0xffff, v48  }
0xe2: {  	v48 =	vld.idx.msk [tilespmem:v20+s2+$0x0], $0xffff;
	_ =	sdelay $0x4  }
0xe3: {  	[tilespmem:v21+s15+$0x0] =	vst.idx.msk $0xffff, v48  }
0xe4: {  	v48 =	vld.idx.msk [tilespmem:v22+s2+$0x0], $0xffff;
	_ =	sdelay $0x4  }
0xe5: {  	[tilespmem:v23+s15+$0x0] =	vst.idx.msk $0xffff, v48  }
0xe6: {  	v48 =	vld.idx.msk [tilespmem:v24+s2+$0x0], $0xffff;
	_ =	sdelay $0x4  }
0xe7: {  	[tilespmem:v25+s15+$0x0] =	vst.idx.msk $0xffff, v48  }
0xe8: {  	v48 =	vld.idx.msk [tilespmem:v26+s2+$0x0], $0xffff;
	_ =	sdelay $0x4  }
0xe9: {  	[tilespmem:v27+s15+$0x0] =	vst.idx.msk $0xffff, v48  }
0xea: {  	v48 =	vld.idx.msk [tilespmem:v28+s2+$0x0], $0xffff;
	_ =	sdelay $0x4  }
0xeb: {  	[tilespmem:v29+s15+$0x0] =	vst.idx.msk $0xffff, v48  }
0xec: {  	v48 =	vld.idx.msk [tilespmem:v30+s2+$0x0], $0xffff;
	_ =	sdelay $0x3  }
0xed: {  	p0 =	seq.s32 s24, $0x3B600  }
0xee: {  	s28 =	simm.s32 @!p0 $0x0;
	s26 =	sadd.s32 @!p0 s24, s8;
	[tilespmem:v31+s15+$0x0] =	vst.idx.msk $0xffff, v48  }
0xef: {  	[tilespmem:s28], [sflag:$0x1] =	stream.linear.gather @!p0 [hbm4b:s26+s28], $0x6400, $0x38;
	[tilespmem:$0x19800] =	vst v63  }
0xf0: {  	_ =	swait.ge [sflag:s16], $0x6400  }
0xf1: {  	[sflag:s16] =	ssyncset.done $0x0  }
0xf2: {  	[sflag:s16] =	ssyncadd.s32 $0xFFFF9C00  }
0xf3: {  	v63 =	vld.idx.msk [tilespmem:v0+s11+$0x0], $0xffff;
	_ =	sdelay $0x4  }
0xf4: {  	[tilespmem:v32+s15+$0x0] =	vst.idx.msk $0xffff, v63  }
0xf5: {  	v48 =	vld.idx.msk [tilespmem:v2+s11+$0x0], $0xffff;
	_ =	sdelay $0x4  }
0xf6: {  	[tilespmem:v33+s15+$0x0] =	vst.idx.msk $0xffff, v48  }
0xf7: {  	v48 =	vld.idx.msk [tilespmem:v4+s11+$0x0], $0xffff;
	_ =	sdelay $0x4  }
0xf8: {  	[tilespmem:v34+s15+$0x0] =	vst.idx.msk $0xffff, v48  }
0xf9: {  	v48 =	vld.idx.msk [tilespmem:v6+s11+$0x0], $0xffff;
	_ =	sdelay $0x4  }
0xfa: {  	[tilespmem:v35+s15+$0x0] =	vst.idx.msk $0xffff, v48  }
0xfb: {  	v48 =	vld.idx.msk [tilespmem:v8+s11+$0x0], $0xffff;
	_ =	sdelay $0x4  }
0xfc: {  	[tilespmem:v36+s15+$0x0] =	vst.idx.msk $0xffff, v48  }
0xfd: {  	v48 =	vld.idx.msk [tilespmem:v10+s11+$0x0], $0xffff;
	_ =	sdelay $0x4  }
0xfe: {  	[tilespmem:v37+s15+$0x0] =	vst.idx.msk $0xffff, v48  }
0xff: {  	v48 =	vld.idx.msk [tilespmem:v12+s11+$0x0], $0xffff;
	_ =	sdelay $0x4  }
0x100: {  	[tilespmem:v38+s15+$0x0] =	vst.idx.msk $0xffff, v48  }
0x101: {  	v48 =	vld.idx.msk [tilespmem:v14+s11+$0x0], $0xffff;
	_ =	sdelay $0x4  }
0x102: {  	[tilespmem:v39+s15+$0x0] =	vst.idx.msk $0xffff, v48  }
0x103: {  	v48 =	vld.idx.msk [tilespmem:v16+s11+$0x0], $0xffff;
	_ =	sdelay $0x4  }
0x104: {  	[tilespmem:v40+s15+$0x0] =	vst.idx.msk $0xffff, v48  }
0x105: {  	v48 =	vld.idx.msk [tilespmem:v18+s11+$0x0], $0xffff;
	_ =	sdelay $0x4  }
0x106: {  	[tilespmem:v41+s15+$0x0] =	vst.idx.msk $0xffff, v48  }
0x107: {  	v48 =	vld.idx.msk [tilespmem:v20+s11+$0x0], $0xffff;
	_ =	sdelay $0x4  }
0x108: {  	[tilespmem:v42+s15+$0x0] =	vst.idx.msk $0xffff, v48  }
0x109: {  	v48 =	vld.idx.msk [tilespmem:v22+s11+$0x0], $0xffff;
	_ =	sdelay $0x4  }
0x10a: {  	[tilespmem:v43+s15+$0x0] =	vst.idx.msk $0xffff, v48  }
0x10b: {  	v48 =	vld.idx.msk [tilespmem:v24+s11+$0x0], $0xffff;
	_ =	sdelay $0x4  }
0x10c: {  	[tilespmem:v44+s15+$0x0] =	vst.idx.msk $0xffff, v48  }
0x10d: {  	v48 =	vld.idx.msk [tilespmem:v26+s11+$0x0], $0xffff;
	_ =	sdelay $0x4  }
0x10e: {  	[tilespmem:v45+s15+$0x0] =	vst.idx.msk $0xffff, v48  }
0x10f: {  	v48 =	vld.idx.msk [tilespmem:v28+s11+$0x0], $0xffff;
	_ =	sdelay $0x4  }
0x110: {  	[tilespmem:v46+s15+$0x0] =	vst.idx.msk $0xffff, v48  }
0x111: {  	v48 =	vld.idx.msk [tilespmem:v30+s11+$0x0], $0xffff  }
0x112: {  	p2 =	sne.s32 s24, $0x3B600  }
.Ltmp4:
0x113: {  	_ = 	snop;
	(pc) =	sbr.rel @!p2 .LBB2_3-.Ltmp4, $3  }
0x114: {  	_ =	sdelay $0x1  }
0x115: {  	s31 =	sadd.s32 $0xFFFFFF80, s23;
	[tilespmem:v47+s15+$0x0] =	vst.idx.msk $0xffff, v48  }
0x116: {  	[hbm4b:s31+s2] =	stream.linear.scatter [tilespmem:s15], [sflag:$0x5], $0x400, $0x38;
	[tilespmem:$0x19800] =	vst v63  }
0x117: {  	s25 =	sadd.s32 $0x3E80, s25  }
0x118: {  	[tilespmem:s11], [sflag:$0x2] =	stream.linear.gather [hbm4b:s25+s2], $0x6400, $0x38;
	[tilespmem:$0x19800] =	vst v63  }
.Ltmp5:
0x119: {  	_ = 	snop;
	(pc) =	sbr.rel @!p1 .LBB2_5-.Ltmp5, $4  }
.Ltmp6:
0x11a: {  	_ = 	snop;
	(pc) =	sbr.rel @p1 .LBB2_6-.Ltmp6, $4  }
0x11b: {  	_ =	swait.ge [sflag:s17], $0x6400  }
0x11c: {  	[sflag:s17] =	ssyncset.done $0x0  }
0x11d: {  	[sflag:s17] =	ssyncadd.s32 $0xFFFF9C00  }
0x11e: {  	_ = 	snop  }
.LBB2_8:
0x11f: {  	_ =	sfence.sel $0x180000  }
0x120: {  	[bflag:$0x0] =	sbarrier.arrive $0xFFFF  }
0x121: {  	p0 =	sne.s32 s0, $0x0;
	_ =	strace $0x90000047  }
0x122: {  	s0 =	sadd.s32 @!p0 $0x100000, s1;
	[bflag:$0x2] =	sbarrier.arrive $0xFFFF  }
0x123: {  	[sflag:s0] =	ssyncadd.tile.s32 @!p0 $0x1;
	_ =	shalt  }
.Lfunc_end2:
_tile_overlayer_lowered:
.L_overlay_start_2:
0x124: {  	(tag) =	ssettag $0x2  }
0x125: {  	s0 =	rddreg [dreg:$0x0];
	s2 =	stileid.u32  }
0x126: {  	s1 =	rddreg [dreg:$0x1];
	p0 =	sne.s32 s2, $0x0  }
0x127: {  	s3 =	rddreg [dreg:$0x2];
	[bflag:$0x3] =	sbarrier.arrive $0xFFFF;
	s2 =	simm.s32 @!p0 $0x1C07  }
0x128: {  	[timem:s3], [sflag:s2] =	dma.local @!p0 [hbm:s0], s1  }
0x129: {  	s0 =	simm.s32 @!p0 $0x7  }
0x12a: {  	_ =	swait.ge @!p0 [sflag:s0], s1  }
0x12b: {  	s1 =	ssub.s32 @!p0 $0x0, s1;
	[sflag:s0] =	ssyncset.done @!p0 $0x0  }
0x12c: {  	[sflag:s0] =	ssyncadd.s32 @!p0 s1  }
0x12d: {  	[bflag:$0x3] =	sbarrier.arrive $0xFFFF  }
0x12e: {  	_ =	shalt  }

</sc_bundles>
